<compile_context>
chip_gen: v7x
topology: tpu7x:2x2x1
jax: 0.10.2.dev20260603
libtpu: 0.0.44.dev20260713+nightly
codegen_flags: <defaults>
</compile_context>

<pallas_src>
import functools

import jax
import jax.numpy as jnp
from jax import lax
from jax.experimental import pallas as pl
from jax.experimental.pallas import tpu as pltpu
from jax.experimental.pallas import tpu_sc as plsc

_NUM_CORES = 2
_NUM_SUBCORES = 16
_NW = _NUM_CORES * _NUM_SUBCORES
_CHUNK = 8
_NBUF = 12
_NG = 3


@functools.lru_cache(maxsize=None)
def _make_gather(n, d):
    per_w = n // _NW
    nchunk = per_w // _CHUNK
    mesh = plsc.VectorSubcoreMesh(core_axis_name="c", subcore_axis_name="s")

    @functools.partial(
        pl.kernel,
        out_type=jax.ShapeDtypeStruct((n, d), jnp.float32),
        mesh=mesh,
        scratch_types=[
            pltpu.VMEM((per_w,), jnp.int32),
            pltpu.VMEM((_NG, (_NBUF // _NG) * _CHUNK, d), jnp.float32),
            pltpu.SemaphoreType.DMA((_NBUF,)),
            pltpu.SemaphoreType.DMA((_NG,)),
        ],
    )
    def k(pos_hbm, table_hbm, out_hbm, idx_v, rows_v, gsem, osem):
        wid = lax.axis_index("s") * _NUM_CORES + lax.axis_index("c")
        base = wid * per_w
        pltpu.sync_copy(pos_hbm.at[pl.ds(base, per_w)], idx_v)

        gs = _NBUF // _NG
        nbatch = nchunk // gs
        assert (nbatch - (_NG - 1)) % _NG == 0

        def gather_start(c, grp, b):
            pltpu.async_copy(
                table_hbm.at[idx_v.at[pl.ds(c * _CHUNK, _CHUNK)]],
                rows_v.at[grp, pl.ds(b * _CHUNK, _CHUNK)],
                gsem.at[grp * gs + b],
            )

        def gather_wait(grp, b):
            pltpu.make_async_copy(
                table_hbm.at[idx_v.at[pl.ds(0, _CHUNK)]],
                rows_v.at[grp, pl.ds(b * _CHUNK, _CHUNK)],
                gsem.at[grp * gs + b],
            ).wait()

        def batch_gathers(kb, grp):
            for b in range(gs):
                gather_start(kb * gs + b, grp, b)

        def batch_stores(kb, grp):
            for b in range(gs):
                gather_wait(grp, b)
            pltpu.async_copy(
                rows_v.at[grp],
                out_hbm.at[pl.ds(base + kb * gs * _CHUNK, gs * _CHUNK)],
                osem.at[grp],
            )
            pltpu.make_async_copy(
                rows_v.at[grp],
                out_hbm.at[pl.ds(base, gs * _CHUNK)],
                osem.at[grp],
            ).wait()

        for g in range(_NG - 1):
            batch_gathers(g, g)

        @pl.loop(0, nbatch - (_NG - 1), step=_NG)
        def _outer(kb):
            for g in range(_NG):
                batch_gathers(kb + g + _NG - 1, (g + _NG - 1) % _NG)
                batch_stores(kb + g, g)

        for g in range(_NG - 1):
            batch_stores(nbatch - (_NG - 1) + g, g)

    return k


def kernel(positions, table):
    b, s = positions.shape
    n = b * s
    d = table.shape[1]
    flat = positions.reshape(n).astype(jnp.int32)
    out = _make_gather(n, d)(flat, table)
    return out.reshape(b, s, d)

# --- scband reference (transcript-rebuilt; emitter-appended) ---
"""Pipeline reference for scband-wpe-40209483825261 (READ-ONLY COPY).

The authoritative reference and input builder live on the scoring server;
editing this copy changes nothing except your own understanding.
"""

import jax, jax.numpy as jnp
import numpy as np

MAX_POSITION = 8192
D_MODEL = 1024
BATCH = 4
SEQ_LEN = 8192


def setup_inputs(seed: int = 0) -> dict:
    key = jax.random.key(seed)
    k_pos, k_tab = jax.random.split(key)
    positions = jax.random.randint(k_pos, (BATCH, SEQ_LEN), 0, MAX_POSITION, dtype=jnp.int64 if jax.config.jax_enable_x64 else jnp.int32)
    table = jax.random.normal(k_tab, (MAX_POSITION, D_MODEL), dtype=jnp.float32) * 0.02
    return {"positions": positions, "table": table}


def reference(positions, table):
    # WPE.call: positional embedding lookup -> table gather by position ids
    return jnp.take(table, positions, axis=0)

if __name__ == "__main__":
    import jax
    _d = setup_inputs()
    print(jax.jit(kernel)(*tuple(_d.values())))

</pallas_src>

<mosaic_0001>
#map = affine_map<(d0, d1) -> (0)>
#map1 = affine_map<(d0, d1) -> (0, 0)>
module attributes {stable_mosaic.version = 14 : i64} {
  func.func @k(%arg0: i32, %arg1: i32, %arg2: memref<32768xi32, #tpu.memory_space<hbm>>, %arg3: memref<8192x1024xf32, #tpu.memory_space<hbm>>, %arg4: memref<32768x1024xf32, #tpu.memory_space<hbm>>, %arg5: memref<1024xi32, #tpu.memory_space<vmem>>, %arg6: memref<3x32x1024xf32, #tpu.memory_space<vmem>>, %arg7: memref<12x!tpu.dma_semaphore, #tpu.memory_space<semaphore_mem>>, %arg8: memref<3x!tpu.dma_semaphore, #tpu.memory_space<semaphore_mem>>) attributes {dimension_semantics = [#tpu.dimension_semantics<core_parallel>, #tpu.dimension_semantics<subcore_parallel>], iteration_bounds = array<i64: 2, 16>, scalar_prefetch = 0 : i64, scratch_operands = 4 : i64, tpu.core_type = #tpu.core_type<sc_vector_subcore>, window_params = [{transform_indices = #map}, {transform_indices = #map1}, {transform_indices = #map1}]} {
    %mul3A = arith.constant 2 : i32
    %mul3A_0 = arith.muli %arg1, %mul3A : i32
    %add3A = arith.addi %mul3A_0, %arg0 : i32
    %mul3A_1 = arith.constant 1024 : i32
    %mul3A_2 = arith.muli %add3A, %mul3A_1 : i32
    "tpu.region"() ({
      %run_scoped3A = tpu.sem_alloc : memref<!tpu.dma_semaphore, #tpu.memory_space<semaphore_mem>>
      %dma_start3A_281 = tpu.memref_slice %arg2[%mul3A_2] : memref<32768xi32, #tpu.memory_space<hbm>> -> memref<1024xi32, #tpu.memory_space<hbm>>
      %dma_start3A_282 = tpu.memref_slice %arg2[%mul3A_2] : memref<32768xi32, #tpu.memory_space<hbm>> -> memref<1024xi32, #tpu.memory_space<hbm>>
      tpu.enqueue_dma source(%dma_start3A_282 : memref<1024xi32, #tpu.memory_space<hbm>>) target(%arg5 : memref<1024xi32, #tpu.memory_space<vmem>>) target_semaphore(%run_scoped3A : memref<!tpu.dma_semaphore, #tpu.memory_space<semaphore_mem>>)
      %dma_wait3A_283 = tpu.memref_slice %arg2[%mul3A_2] : memref<32768xi32, #tpu.memory_space<hbm>> -> memref<1024xi32, #tpu.memory_space<hbm>>
      %dma_wait3A_284 = tpu.memref_slice %arg2[%mul3A_2] : memref<32768xi32, #tpu.memory_space<hbm>> -> memref<1024xi32, #tpu.memory_space<hbm>>
      tpu.wait_dma2 semaphore(%run_scoped3A : memref<!tpu.dma_semaphore, #tpu.memory_space<semaphore_mem>>) src(%dma_wait3A_284 : memref<1024xi32, #tpu.memory_space<hbm>>) dst(%arg5 : memref<1024xi32, #tpu.memory_space<vmem>>)
      tpu.yield
    }) : () -> ()
    %dma_start3A = arith.constant 0 : i32
    %dma_start3A_3 = arith.constant 0 : i32
    %dma_start3A_4 = arith.constant 0 : i32
    %dma_start3A_5 = arith.constant 0 : i32
    %dma_start3A_6 = tpu.memref_slice %arg6[%dma_start3A, %dma_start3A_4, %dma_start3A_5] : memref<3x32x1024xf32, #tpu.memory_space<vmem>> -> memref<1x8x1024xf32, #tpu.memory_space<vmem>>
    %dma_start3A_7 = tpu.memref_squeeze %dma_start3A_6 : memref<1x8x1024xf32, #tpu.memory_space<vmem>> -> memref<8x1024xf32, #tpu.memory_space<vmem>>
    %dma_start3A_8 = arith.constant 0 : i32
    %dma_start3A_9 = tpu.memref_slice %arg5[%dma_start3A_8] : memref<1024xi32, #tpu.memory_space<vmem>> -> memref<8xi32, #tpu.memory_space<vmem>>
    %dma_start3A_10 = arith.constant 0 : i32
    %dma_start3A_11 = arith.constant 0 : i32
    %dma_start3A_12 = tpu.memref_slice %arg3[%dma_start3A_10, %dma_start3A_11] : memref<8192x1024xf32, #tpu.memory_space<hbm>> -> memref<8192x1024xf32, #tpu.memory_space<hbm>>
    %dma_start3A_13 = tpu.memref_slice %arg7[%dma_start3A_3] : memref<12x!tpu.dma_semaphore, #tpu.memory_space<semaphore_mem>> -> memref<1x!tpu.dma_semaphore, #tpu.memory_space<semaphore_mem>>
    %dma_start3A_14 = tpu.memref_squeeze %dma_start3A_13 : memref<1x!tpu.dma_semaphore, #tpu.memory_space<semaphore_mem>> -> memref<!tpu.dma_semaphore, #tpu.memory_space<semaphore_mem>>
    tpu.enqueue_indirect_dma source(%dma_start3A_12 : memref<8192x1024xf32, #tpu.memory_space<hbm>>) target(%dma_start3A_7 : memref<8x1024xf32, #tpu.memory_space<vmem>>) offsets(%dma_start3A_9 : memref<8xi32, #tpu.memory_space<vmem>>) semaphore(%dma_start3A_14 : memref<!tpu.dma_semaphore, #tpu.memory_space<semaphore_mem>>)
    %dma_start3A_15 = arith.constant 0 : i32
    %dma_start3A_16 = arith.constant 1 : i32
    %dma_start3A_17 = arith.constant 8 : i32
    %dma_start3A_18 = arith.constant 0 : i32
    %dma_start3A_19 = tpu.memref_slice %arg6[%dma_start3A_15, %dma_start3A_17, %dma_start3A_18] : memref<3x32x1024xf32, #tpu.memory_space<vmem>> -> memref<1x8x1024xf32, #tpu.memory_space<vmem>>
    %dma_start3A_20 = tpu.memref_squeeze %dma_start3A_19 : memref<1x8x1024xf32, #tpu.memory_space<vmem>> -> memref<8x1024xf32, #tpu.memory_space<vmem>>
    %dma_start3A_21 = arith.constant 8 : i32
    %dma_start3A_22 = tpu.memref_slice %arg5[%dma_start3A_21] : memref<1024xi32, #tpu.memory_space<vmem>> -> memref<8xi32, #tpu.memory_space<vmem>>
    %dma_start3A_23 = arith.constant 0 : i32
    %dma_start3A_24 = arith.constant 0 : i32
    %dma_start3A_25 = tpu.memref_slice %arg3[%dma_start3A_23, %dma_start3A_24] : memref<8192x1024xf32, #tpu.memory_space<hbm>> -> memref<8192x1024xf32, #tpu.memory_space<hbm>>
    %dma_start3A_26 = tpu.memref_slice %arg7[%dma_start3A_16] : memref<12x!tpu.dma_semaphore, #tpu.memory_space<semaphore_mem>> -> memref<1x!tpu.dma_semaphore, #tpu.memory_space<semaphore_mem>>
    %dma_start3A_27 = tpu.memref_squeeze %dma_start3A_26 : memref<1x!tpu.dma_semaphore, #tpu.memory_space<semaphore_mem>> -> memref<!tpu.dma_semaphore, #tpu.memory_space<semaphore_mem>>
    tpu.enqueue_indirect_dma source(%dma_start3A_25 : memref<8192x1024xf32, #tpu.memory_space<hbm>>) target(%dma_start3A_20 : memref<8x1024xf32, #tpu.memory_space<vmem>>) offsets(%dma_start3A_22 : memref<8xi32, #tpu.memory_space<vmem>>) semaphore(%dma_start3A_27 : memref<!tpu.dma_semaphore, #tpu.memory_space<semaphore_mem>>)
    %dma_start3A_28 = arith.constant 0 : i32
    %dma_start3A_29 = arith.constant 2 : i32
    %dma_start3A_30 = arith.constant 16 : i32
    %dma_start3A_31 = arith.constant 0 : i32
    %dma_start3A_32 = tpu.memref_slice %arg6[%dma_start3A_28, %dma_start3A_30, %dma_start3A_31] : memref<3x32x1024xf32, #tpu.memory_space<vmem>> -> memref<1x8x1024xf32, #tpu.memory_space<vmem>>
    %dma_start3A_33 = tpu.memref_squeeze %dma_start3A_32 : memref<1x8x1024xf32, #tpu.memory_space<vmem>> -> memref<8x1024xf32, #tpu.memory_space<vmem>>
    %dma_start3A_34 = arith.constant 16 : i32
    %dma_start3A_35 = tpu.memref_slice %arg5[%dma_start3A_34] : memref<1024xi32, #tpu.memory_space<vmem>> -> memref<8xi32, #tpu.memory_space<vmem>>
    %dma_start3A_36 = arith.constant 0 : i32
    %dma_start3A_37 = arith.constant 0 : i32
    %dma_start3A_38 = tpu.memref_slice %arg3[%dma_start3A_36, %dma_start3A_37] : memref<8192x1024xf32, #tpu.memory_space<hbm>> -> memref<8192x1024xf32, #tpu.memory_space<hbm>>
    %dma_start3A_39 = tpu.memref_slice %arg7[%dma_start3A_29] : memref<12x!tpu.dma_semaphore, #tpu.memory_space<semaphore_mem>> -> memref<1x!tpu.dma_semaphore, #tpu.memory_space<semaphore_mem>>
    %dma_start3A_40 = tpu.memref_squeeze %dma_start3A_39 : memref<1x!tpu.dma_semaphore, #tpu.memory_space<semaphore_mem>> -> memref<!tpu.dma_semaphore, #tpu.memory_space<semaphore_mem>>
    tpu.enqueue_indirect_dma source(%dma_start3A_38 : memref<8192x1024xf32, #tpu.memory_space<hbm>>) target(%dma_start3A_33 : memref<8x1024xf32, #tpu.memory_space<vmem>>) offsets(%dma_start3A_35 : memref<8xi32, #tpu.memory_space<vmem>>) semaphore(%dma_start3A_40 : memref<!tpu.dma_semaphore, #tpu.memory_space<semaphore_mem>>)
    %dma_start3A_41 = arith.constant 0 : i32
    %dma_start3A_42 = arith.constant 3 : i32
    %dma_start3A_43 = arith.constant 24 : i32
    %dma_start3A_44 = arith.constant 0 : i32
    %dma_start3A_45 = tpu.memref_slice %arg6[%dma_start3A_41, %dma_start3A_43, %dma_start3A_44] : memref<3x32x1024xf32, #tpu.memory_space<vmem>> -> memref<1x8x1024xf32, #tpu.memory_space<vmem>>
    %dma_start3A_46 = tpu.memref_squeeze %dma_start3A_45 : memref<1x8x1024xf32, #tpu.memory_space<vmem>> -> memref<8x1024xf32, #tpu.memory_space<vmem>>
    %dma_start3A_47 = arith.constant 24 : i32
    %dma_start3A_48 = tpu.memref_slice %arg5[%dma_start3A_47] : memref<1024xi32, #tpu.memory_space<vmem>> -> memref<8xi32, #tpu.memory_space<vmem>>
    %dma_start3A_49 = arith.constant 0 : i32
    %dma_start3A_50 = arith.constant 0 : i32
    %dma_start3A_51 = tpu.memref_slice %arg3[%dma_start3A_49, %dma_start3A_50] : memref<8192x1024xf32, #tpu.memory_space<hbm>> -> memref<8192x1024xf32, #tpu.memory_space<hbm>>
    %dma_start3A_52 = tpu.memref_slice %arg7[%dma_start3A_42] : memref<12x!tpu.dma_semaphore, #tpu.memory_space<semaphore_mem>> -> memref<1x!tpu.dma_semaphore, #tpu.memory_space<semaphore_mem>>
    %dma_start3A_53 = tpu.memref_squeeze %dma_start3A_52 : memref<1x!tpu.dma_semaphore, #tpu.memory_space<semaphore_mem>> -> memref<!tpu.dma_semaphore, #tpu.memory_space<semaphore_mem>>
    tpu.enqueue_indirect_dma source(%dma_start3A_51 : memref<8192x1024xf32, #tpu.memory_space<hbm>>) target(%dma_start3A_46 : memref<8x1024xf32, #tpu.memory_space<vmem>>) offsets(%dma_start3A_48 : memref<8xi32, #tpu.memory_space<vmem>>) semaphore(%dma_start3A_53 : memref<!tpu.dma_semaphore, #tpu.memory_space<semaphore_mem>>)
    %dma_start3A_54 = arith.constant 1 : i32
    %dma_start3A_55 = arith.constant 4 : i32
    %dma_start3A_56 = arith.constant 0 : i32
    %dma_start3A_57 = arith.constant 0 : i32
    %dma_start3A_58 = tpu.memref_slice %arg6[%dma_start3A_54, %dma_start3A_56, %dma_start3A_57] : memref<3x32x1024xf32, #tpu.memory_space<vmem>> -> memref<1x8x1024xf32, #tpu.memory_space<vmem>>
    %dma_start3A_59 = tpu.memref_squeeze %dma_start3A_58 : memref<1x8x1024xf32, #tpu.memory_space<vmem>> -> memref<8x1024xf32, #tpu.memory_space<vmem>>
    %dma_start3A_60 = arith.constant 32 : i32
    %dma_start3A_61 = tpu.memref_slice %arg5[%dma_start3A_60] : memref<1024xi32, #tpu.memory_space<vmem>> -> memref<8xi32, #tpu.memory_space<vmem>>
    %dma_start3A_62 = arith.constant 0 : i32
    %dma_start3A_63 = arith.constant 0 : i32
    %dma_start3A_64 = tpu.memref_slice %arg3[%dma_start3A_62, %dma_start3A_63] : memref<8192x1024xf32, #tpu.memory_space<hbm>> -> memref<8192x1024xf32, #tpu.memory_space<hbm>>
    %dma_start3A_65 = tpu.memref_slice %arg7[%dma_start3A_55] : memref<12x!tpu.dma_semaphore, #tpu.memory_space<semaphore_mem>> -> memref<1x!tpu.dma_semaphore, #tpu.memory_space<semaphore_mem>>
    %dma_start3A_66 = tpu.memref_squeeze %dma_start3A_65 : memref<1x!tpu.dma_semaphore, #tpu.memory_space<semaphore_mem>> -> memref<!tpu.dma_semaphore, #tpu.memory_space<semaphore_mem>>
    tpu.enqueue_indirect_dma source(%dma_start3A_64 : memref<8192x1024xf32, #tpu.memory_space<hbm>>) target(%dma_start3A_59 : memref<8x1024xf32, #tpu.memory_space<vmem>>) offsets(%dma_start3A_61 : memref<8xi32, #tpu.memory_space<vmem>>) semaphore(%dma_start3A_66 : memref<!tpu.dma_semaphore, #tpu.memory_space<semaphore_mem>>)
    %dma_start3A_67 = arith.constant 1 : i32
    %dma_start3A_68 = arith.constant 5 : i32
    %dma_start3A_69 = arith.constant 8 : i32
    %dma_start3A_70 = arith.constant 0 : i32
    %dma_start3A_71 = tpu.memref_slice %arg6[%dma_start3A_67, %dma_start3A_69, %dma_start3A_70] : memref<3x32x1024xf32, #tpu.memory_space<vmem>> -> memref<1x8x1024xf32, #tpu.memory_space<vmem>>
    %dma_start3A_72 = tpu.memref_squeeze %dma_start3A_71 : memref<1x8x1024xf32, #tpu.memory_space<vmem>> -> memref<8x1024xf32, #tpu.memory_space<vmem>>
    %dma_start3A_73 = arith.constant 40 : i32
    %dma_start3A_74 = tpu.memref_slice %arg5[%dma_start3A_73] : memref<1024xi32, #tpu.memory_space<vmem>> -> memref<8xi32, #tpu.memory_space<vmem>>
    %dma_start3A_75 = arith.constant 0 : i32
    %dma_start3A_76 = arith.constant 0 : i32
    %dma_start3A_77 = tpu.memref_slice %arg3[%dma_start3A_75, %dma_start3A_76] : memref<8192x1024xf32, #tpu.memory_space<hbm>> -> memref<8192x1024xf32, #tpu.memory_space<hbm>>
    %dma_start3A_78 = tpu.memref_slice %arg7[%dma_start3A_68] : memref<12x!tpu.dma_semaphore, #tpu.memory_space<semaphore_mem>> -> memref<1x!tpu.dma_semaphore, #tpu.memory_space<semaphore_mem>>
    %dma_start3A_79 = tpu.memref_squeeze %dma_start3A_78 : memref<1x!tpu.dma_semaphore, #tpu.memory_space<semaphore_mem>> -> memref<!tpu.dma_semaphore, #tpu.memory_space<semaphore_mem>>
    tpu.enqueue_indirect_dma source(%dma_start3A_77 : memref<8192x1024xf32, #tpu.memory_space<hbm>>) target(%dma_start3A_72 : memref<8x1024xf32, #tpu.memory_space<vmem>>) offsets(%dma_start3A_74 : memref<8xi32, #tpu.memory_space<vmem>>) semaphore(%dma_start3A_79 : memref<!tpu.dma_semaphore, #tpu.memory_space<semaphore_mem>>)
    %dma_start3A_80 = arith.constant 1 : i32
    %dma_start3A_81 = arith.constant 6 : i32
    %dma_start3A_82 = arith.constant 16 : i32
    %dma_start3A_83 = arith.constant 0 : i32
    %dma_start3A_84 = tpu.memref_slice %arg6[%dma_start3A_80, %dma_start3A_82, %dma_start3A_83] : memref<3x32x1024xf32, #tpu.memory_space<vmem>> -> memref<1x8x1024xf32, #tpu.memory_space<vmem>>
    %dma_start3A_85 = tpu.memref_squeeze %dma_start3A_84 : memref<1x8x1024xf32, #tpu.memory_space<vmem>> -> memref<8x1024xf32, #tpu.memory_space<vmem>>
    %dma_start3A_86 = arith.constant 48 : i32
    %dma_start3A_87 = tpu.memref_slice %arg5[%dma_start3A_86] : memref<1024xi32, #tpu.memory_space<vmem>> -> memref<8xi32, #tpu.memory_space<vmem>>
    %dma_start3A_88 = arith.constant 0 : i32
    %dma_start3A_89 = arith.constant 0 : i32
    %dma_start3A_90 = tpu.memref_slice %arg3[%dma_start3A_88, %dma_start3A_89] : memref<8192x1024xf32, #tpu.memory_space<hbm>> -> memref<8192x1024xf32, #tpu.memory_space<hbm>>
    %dma_start3A_91 = tpu.memref_slice %arg7[%dma_start3A_81] : memref<12x!tpu.dma_semaphore, #tpu.memory_space<semaphore_mem>> -> memref<1x!tpu.dma_semaphore, #tpu.memory_space<semaphore_mem>>
    %dma_start3A_92 = tpu.memref_squeeze %dma_start3A_91 : memref<1x!tpu.dma_semaphore, #tpu.memory_space<semaphore_mem>> -> memref<!tpu.dma_semaphore, #tpu.memory_space<semaphore_mem>>
    tpu.enqueue_indirect_dma source(%dma_start3A_90 : memref<8192x1024xf32, #tpu.memory_space<hbm>>) target(%dma_start3A_85 : memref<8x1024xf32, #tpu.memory_space<vmem>>) offsets(%dma_start3A_87 : memref<8xi32, #tpu.memory_space<vmem>>) semaphore(%dma_start3A_92 : memref<!tpu.dma_semaphore, #tpu.memory_space<semaphore_mem>>)
    %dma_start3A_93 = arith.constant 1 : i32
    %dma_start3A_94 = arith.constant 7 : i32
    %dma_start3A_95 = arith.constant 24 : i32
    %dma_start3A_96 = arith.constant 0 : i32
    %dma_start3A_97 = tpu.memref_slice %arg6[%dma_start3A_93, %dma_start3A_95, %dma_start3A_96] : memref<3x32x1024xf32, #tpu.memory_space<vmem>> -> memref<1x8x1024xf32, #tpu.memory_space<vmem>>
    %dma_start3A_98 = tpu.memref_squeeze %dma_start3A_97 : memref<1x8x1024xf32, #tpu.memory_space<vmem>> -> memref<8x1024xf32, #tpu.memory_space<vmem>>
    %dma_start3A_99 = arith.constant 56 : i32
    %dma_start3A_100 = tpu.memref_slice %arg5[%dma_start3A_99] : memref<1024xi32, #tpu.memory_space<vmem>> -> memref<8xi32, #tpu.memory_space<vmem>>
    %dma_start3A_101 = arith.constant 0 : i32
    %dma_start3A_102 = arith.constant 0 : i32
    %dma_start3A_103 = tpu.memref_slice %arg3[%dma_start3A_101, %dma_start3A_102] : memref<8192x1024xf32, #tpu.memory_space<hbm>> -> memref<8192x1024xf32, #tpu.memory_space<hbm>>
    %dma_start3A_104 = tpu.memref_slice %arg7[%dma_start3A_94] : memref<12x!tpu.dma_semaphore, #tpu.memory_space<semaphore_mem>> -> memref<1x!tpu.dma_semaphore, #tpu.memory_space<semaphore_mem>>
    %dma_start3A_105 = tpu.memref_squeeze %dma_start3A_104 : memref<1x!tpu.dma_semaphore, #tpu.memory_space<semaphore_mem>> -> memref<!tpu.dma_semaphore, #tpu.memory_space<semaphore_mem>>
    tpu.enqueue_indirect_dma source(%dma_start3A_103 : memref<8192x1024xf32, #tpu.memory_space<hbm>>) target(%dma_start3A_98 : memref<8x1024xf32, #tpu.memory_space<vmem>>) offsets(%dma_start3A_100 : memref<8xi32, #tpu.memory_space<vmem>>) semaphore(%dma_start3A_105 : memref<!tpu.dma_semaphore, #tpu.memory_space<semaphore_mem>>)
    %scan3A = arith.constant 0 : i32
    %scan3A_106 = arith.constant 10 : i32
    %scan3A_107 = arith.addi %scan3A, %scan3A_106 : i32
    %scan3A_108 = arith.constant 1 : i32
    scf.for %scan3A_281 = %scan3A to %scan3A_107 step %scan3A_108  : i32 {
      %mul3A_282 = arith.constant 3 : i32
      %mul3A_283 = arith.muli %scan3A_281, %mul3A_282 : i32
      %add3A_284 = arith.constant 0 : i32
      %add3A_285 = arith.addi %add3A_284, %mul3A_283 : i32
      %add3A_286 = arith.constant 0 : i32
      %add3A_287 = arith.addi %add3A_285, %add3A_286 : i32
      %add3A_288 = arith.constant 3 : i32
      %add3A_289 = arith.addi %add3A_287, %add3A_288 : i32
      %sub3A = arith.constant 1 : i32
      %sub3A_290 = arith.subi %add3A_289, %sub3A : i32
      %mul3A_291 = arith.constant 4 : i32
      %mul3A_292 = arith.muli %sub3A_290, %mul3A_291 : i32
      %add3A_293 = arith.constant 0 : i32
      %add3A_294 = arith.addi %mul3A_292, %add3A_293 : i32
      %mul3A_295 = arith.constant 8 : i32
      %mul3A_296 = arith.muli %add3A_294, %mul3A_295 : i32
      %dma_start3A_297 = arith.constant 2 : i32
      %dma_start3A_298 = arith.constant 8 : i32
      %dma_start3A_299 = arith.constant 0 : i32
      %dma_start3A_300 = arith.constant 0 : i32
      %dma_start3A_301 = tpu.memref_slice %arg6[%dma_start3A_297, %dma_start3A_299, %dma_start3A_300] : memref<3x32x1024xf32, #tpu.memory_space<vmem>> -> memref<1x8x1024xf32, #tpu.memory_space<vmem>>
      %dma_start3A_302 = tpu.memref_squeeze %dma_start3A_301 : memref<1x8x1024xf32, #tpu.memory_space<vmem>> -> memref<8x1024xf32, #tpu.memory_space<vmem>>
      %dma_start3A_303 = tpu.memref_slice %arg5[%mul3A_296] : memref<1024xi32, #tpu.memory_space<vmem>> -> memref<8xi32, #tpu.memory_space<vmem>>
      %dma_start3A_304 = arith.constant 0 : i32
      %dma_start3A_305 = arith.constant 0 : i32
      %dma_start3A_306 = tpu.memref_slice %arg3[%dma_start3A_304, %dma_start3A_305] : memref<8192x1024xf32, #tpu.memory_space<hbm>> -> memref<8192x1024xf32, #tpu.memory_space<hbm>>
      %dma_start3A_307 = tpu.memref_slice %arg7[%dma_start3A_298] : memref<12x!tpu.dma_semaphore, #tpu.memory_space<semaphore_mem>> -> memref<1x!tpu.dma_semaphore, #tpu.memory_space<semaphore_mem>>
      %dma_start3A_308 = tpu.memref_squeeze %dma_start3A_307 : memref<1x!tpu.dma_semaphore, #tpu.memory_space<semaphore_mem>> -> memref<!tpu.dma_semaphore, #tpu.memory_space<semaphore_mem>>
      tpu.enqueue_indirect_dma source(%dma_start3A_306 : memref<8192x1024xf32, #tpu.memory_space<hbm>>) target(%dma_start3A_302 : memref<8x1024xf32, #tpu.memory_space<vmem>>) offsets(%dma_start3A_303 : memref<8xi32, #tpu.memory_space<vmem>>) semaphore(%dma_start3A_308 : memref<!tpu.dma_semaphore, #tpu.memory_space<semaphore_mem>>)
      %mul3A_309 = arith.constant 4 : i32
      %mul3A_310 = arith.muli %sub3A_290, %mul3A_309 : i32
      %add3A_311 = arith.constant 1 : i32
      %add3A_312 = arith.addi %mul3A_310, %add3A_311 : i32
      %mul3A_313 = arith.constant 8 : i32
      %mul3A_314 = arith.muli %add3A_312, %mul3A_313 : i32
      %dma_start3A_315 = arith.constant 2 : i32
      %dma_start3A_316 = arith.constant 9 : i32
      %dma_start3A_317 = arith.constant 8 : i32
      %dma_start3A_318 = arith.constant 0 : i32
      %dma_start3A_319 = tpu.memref_slice %arg6[%dma_start3A_315, %dma_start3A_317, %dma_start3A_318] : memref<3x32x1024xf32, #tpu.memory_space<vmem>> -> memref<1x8x1024xf32, #tpu.memory_space<vmem>>
      %dma_start3A_320 = tpu.memref_squeeze %dma_start3A_319 : memref<1x8x1024xf32, #tpu.memory_space<vmem>> -> memref<8x1024xf32, #tpu.memory_space<vmem>>
      %dma_start3A_321 = tpu.memref_slice %arg5[%mul3A_314] : memref<1024xi32, #tpu.memory_space<vmem>> -> memref<8xi32, #tpu.memory_space<vmem>>
      %dma_start3A_322 = arith.constant 0 : i32
      %dma_start3A_323 = arith.constant 0 : i32
      %dma_start3A_324 = tpu.memref_slice %arg3[%dma_start3A_322, %dma_start3A_323] : memref<8192x1024xf32, #tpu.memory_space<hbm>> -> memref<8192x1024xf32, #tpu.memory_space<hbm>>
      %dma_start3A_325 = tpu.memref_slice %arg7[%dma_start3A_316] : memref<12x!tpu.dma_semaphore, #tpu.memory_space<semaphore_mem>> -> memref<1x!tpu.dma_semaphore, #tpu.memory_space<semaphore_mem>>
      %dma_start3A_326 = tpu.memref_squeeze %dma_start3A_325 : memref<1x!tpu.dma_semaphore, #tpu.memory_space<semaphore_mem>> -> memref<!tpu.dma_semaphore, #tpu.memory_space<semaphore_mem>>
      tpu.enqueue_indirect_dma source(%dma_start3A_324 : memref<8192x1024xf32, #tpu.memory_space<hbm>>) target(%dma_start3A_320 : memref<8x1024xf32, #tpu.memory_space<vmem>>) offsets(%dma_start3A_321 : memref<8xi32, #tpu.memory_space<vmem>>) semaphore(%dma_start3A_326 : memref<!tpu.dma_semaphore, #tpu.memory_space<semaphore_mem>>)
      %mul3A_327 = arith.constant 4 : i32
      %mul3A_328 = arith.muli %sub3A_290, %mul3A_327 : i32
      %add3A_329 = arith.constant 2 : i32
      %add3A_330 = arith.addi %mul3A_328, %add3A_329 : i32
      %mul3A_331 = arith.constant 8 : i32
      %mul3A_332 = arith.muli %add3A_330, %mul3A_331 : i32
      %dma_start3A_333 = arith.constant 2 : i32
      %dma_start3A_334 = arith.constant 10 : i32
      %dma_start3A_335 = arith.constant 16 : i32
      %dma_start3A_336 = arith.constant 0 : i32
      %dma_start3A_337 = tpu.memref_slice %arg6[%dma_start3A_333, %dma_start3A_335, %dma_start3A_336] : memref<3x32x1024xf32, #tpu.memory_space<vmem>> -> memref<1x8x1024xf32, #tpu.memory_space<vmem>>
      %dma_start3A_338 = tpu.memref_squeeze %dma_start3A_337 : memref<1x8x1024xf32, #tpu.memory_space<vmem>> -> memref<8x1024xf32, #tpu.memory_space<vmem>>
      %dma_start3A_339 = tpu.memref_slice %arg5[%mul3A_332] : memref<1024xi32, #tpu.memory_space<vmem>> -> memref<8xi32, #tpu.memory_space<vmem>>
      %dma_start3A_340 = arith.constant 0 : i32
      %dma_start3A_341 = arith.constant 0 : i32
      %dma_start3A_342 = tpu.memref_slice %arg3[%dma_start3A_340, %dma_start3A_341] : memref<8192x1024xf32, #tpu.memory_space<hbm>> -> memref<8192x1024xf32, #tpu.memory_space<hbm>>
      %dma_start3A_343 = tpu.memref_slice %arg7[%dma_start3A_334] : memref<12x!tpu.dma_semaphore, #tpu.memory_space<semaphore_mem>> -> memref<1x!tpu.dma_semaphore, #tpu.memory_space<semaphore_mem>>
      %dma_start3A_344 = tpu.memref_squeeze %dma_start3A_343 : memref<1x!tpu.dma_semaphore, #tpu.memory_space<semaphore_mem>> -> memref<!tpu.dma_semaphore, #tpu.memory_space<semaphore_mem>>
      tpu.enqueue_indirect_dma source(%dma_start3A_342 : memref<8192x1024xf32, #tpu.memory_space<hbm>>) target(%dma_start3A_338 : memref<8x1024xf32, #tpu.memory_space<vmem>>) offsets(%dma_start3A_339 : memref<8xi32, #tpu.memory_space<vmem>>) semaphore(%dma_start3A_344 : memref<!tpu.dma_semaphore, #tpu.memory_space<semaphore_mem>>)
      %mul3A_345 = arith.constant 4 : i32
      %mul3A_346 = arith.muli %sub3A_290, %mul3A_345 : i32
      %add3A_347 = arith.constant 3 : i32
      %add3A_348 = arith.addi %mul3A_346, %add3A_347 : i32
      %mul3A_349 = arith.constant 8 : i32
      %mul3A_350 = arith.muli %add3A_348, %mul3A_349 : i32
      %dma_start3A_351 = arith.constant 2 : i32
      %dma_start3A_352 = arith.constant 11 : i32
      %dma_start3A_353 = arith.constant 24 : i32
      %dma_start3A_354 = arith.constant 0 : i32
      %dma_start3A_355 = tpu.memref_slice %arg6[%dma_start3A_351, %dma_start3A_353, %dma_start3A_354] : memref<3x32x1024xf32, #tpu.memory_space<vmem>> -> memref<1x8x1024xf32, #tpu.memory_space<vmem>>
      %dma_start3A_356 = tpu.memref_squeeze %dma_start3A_355 : memref<1x8x1024xf32, #tpu.memory_space<vmem>> -> memref<8x1024xf32, #tpu.memory_space<vmem>>
      %dma_start3A_357 = tpu.memref_slice %arg5[%mul3A_350] : memref<1024xi32, #tpu.memory_space<vmem>> -> memref<8xi32, #tpu.memory_space<vmem>>
      %dma_start3A_358 = arith.constant 0 : i32
      %dma_start3A_359 = arith.constant 0 : i32
      %dma_start3A_360 = tpu.memref_slice %arg3[%dma_start3A_358, %dma_start3A_359] : memref<8192x1024xf32, #tpu.memory_space<hbm>> -> memref<8192x1024xf32, #tpu.memory_space<hbm>>
      %dma_start3A_361 = tpu.memref_slice %arg7[%dma_start3A_352] : memref<12x!tpu.dma_semaphore, #tpu.memory_space<semaphore_mem>> -> memref<1x!tpu.dma_semaphore, #tpu.memory_space<semaphore_mem>>
      %dma_start3A_362 = tpu.memref_squeeze %dma_start3A_361 : memref<1x!tpu.dma_semaphore, #tpu.memory_space<semaphore_mem>> -> memref<!tpu.dma_semaphore, #tpu.memory_space<semaphore_mem>>
      tpu.enqueue_indirect_dma source(%dma_start3A_360 : memref<8192x1024xf32, #tpu.memory_space<hbm>>) target(%dma_start3A_356 : memref<8x1024xf32, #tpu.memory_space<vmem>>) offsets(%dma_start3A_357 : memref<8xi32, #tpu.memory_space<vmem>>) semaphore(%dma_start3A_362 : memref<!tpu.dma_semaphore, #tpu.memory_space<semaphore_mem>>)
      %add3A_363 = arith.constant 0 : i32
      %add3A_364 = arith.addi %add3A_285, %add3A_363 : i32
      %dma_wait3A_365 = arith.constant 0 : i32
      %dma_wait3A_366 = arith.constant 0 : i32
      %dma_wait3A_367 = arith.constant 0 : i32
      %dma_wait3A_368 = arith.constant 0 : i32
      %dma_wait3A_369 = tpu.memref_slice %arg6[%dma_wait3A_365, %dma_wait3A_367, %dma_wait3A_368] : memref<3x32x1024xf32, #tpu.memory_space<vmem>> -> memref<1x8x1024xf32, #tpu.memory_space<vmem>>
      %dma_wait3A_370 = tpu.memref_squeeze %dma_wait3A_369 : memref<1x8x1024xf32, #tpu.memory_space<vmem>> -> memref<8x1024xf32, #tpu.memory_space<vmem>>
      %dma_wait3A_371 = arith.constant 0 : i32
      %dma_wait3A_372 = tpu.memref_slice %arg5[%dma_wait3A_371] : memref<1024xi32, #tpu.memory_space<vmem>> -> memref<8xi32, #tpu.memory_space<vmem>>
      %dma_wait3A_373 = arith.constant 0 : i32
      %dma_wait3A_374 = arith.constant 0 : i32
      %dma_wait3A_375 = tpu.memref_slice %arg3[%dma_wait3A_373, %dma_wait3A_374] : memref<8192x1024xf32, #tpu.memory_space<hbm>> -> memref<8192x1024xf32, #tpu.memory_space<hbm>>
      %dma_wait3A_376 = tpu.memref_slice %arg7[%dma_wait3A_366] : memref<12x!tpu.dma_semaphore, #tpu.memory_space<semaphore_mem>> -> memref<1x!tpu.dma_semaphore, #tpu.memory_space<semaphore_mem>>
      %dma_wait3A_377 = tpu.memref_squeeze %dma_wait3A_376 : memref<1x!tpu.dma_semaphore, #tpu.memory_space<semaphore_mem>> -> memref<!tpu.dma_semaphore, #tpu.memory_space<semaphore_mem>>
      tpu.wait_indirect_dma semaphore(%dma_wait3A_377 : memref<!tpu.dma_semaphore, #tpu.memory_space<semaphore_mem>>) src(%dma_wait3A_375 : memref<8192x1024xf32, #tpu.memory_space<hbm>>) dst(%dma_wait3A_370 : memref<8x1024xf32, #tpu.memory_space<vmem>>)
      %dma_wait3A_378 = arith.constant 0 : i32
      %dma_wait3A_379 = arith.constant 1 : i32
      %dma_wait3A_380 = arith.constant 8 : i32
      %dma_wait3A_381 = arith.constant 0 : i32
      %dma_wait3A_382 = tpu.memref_slice %arg6[%dma_wait3A_378, %dma_wait3A_380, %dma_wait3A_381] : memref<3x32x1024xf32, #tpu.memory_space<vmem>> -> memref<1x8x1024xf32, #tpu.memory_space<vmem>>
      %dma_wait3A_383 = tpu.memref_squeeze %dma_wait3A_382 : memref<1x8x1024xf32, #tpu.memory_space<vmem>> -> memref<8x1024xf32, #tpu.memory_space<vmem>>
      %dma_wait3A_384 = arith.constant 0 : i32
      %dma_wait3A_385 = tpu.memref_slice %arg5[%dma_wait3A_384] : memref<1024xi32, #tpu.memory_space<vmem>> -> memref<8xi32, #tpu.memory_space<vmem>>
      %dma_wait3A_386 = arith.constant 0 : i32
      %dma_wait3A_387 = arith.constant 0 : i32
      %dma_wait3A_388 = tpu.memref_slice %arg3[%dma_wait3A_386, %dma_wait3A_387] : memref<8192x1024xf32, #tpu.memory_space<hbm>> -> memref<8192x1024xf32, #tpu.memory_space<hbm>>
      %dma_wait3A_389 = tpu.memref_slice %arg7[%dma_wait3A_379] : memref<12x!tpu.dma_semaphore, #tpu.memory_space<semaphore_mem>> -> memref<1x!tpu.dma_semaphore, #tpu.memory_space<semaphore_mem>>
      %dma_wait3A_390 = tpu.memref_squeeze %dma_wait3A_389 : memref<1x!tpu.dma_semaphore, #tpu.memory_space<semaphore_mem>> -> memref<!tpu.dma_semaphore, #tpu.memory_space<semaphore_mem>>
      tpu.wait_indirect_dma semaphore(%dma_wait3A_390 : memref<!tpu.dma_semaphore, #tpu.memory_space<semaphore_mem>>) src(%dma_wait3A_388 : memref<8192x1024xf32, #tpu.memory_space<hbm>>) dst(%dma_wait3A_383 : memref<8x1024xf32, #tpu.memory_space<vmem>>)
      %dma_wait3A_391 = arith.constant 0 : i32
      %dma_wait3A_392 = arith.constant 2 : i32
      %dma_wait3A_393 = arith.constant 16 : i32
      %dma_wait3A_394 = arith.constant 0 : i32
      %dma_wait3A_395 = tpu.memref_slice %arg6[%dma_wait3A_391, %dma_wait3A_393, %dma_wait3A_394] : memref<3x32x1024xf32, #tpu.memory_space<vmem>> -> memref<1x8x1024xf32, #tpu.memory_space<vmem>>
      %dma_wait3A_396 = tpu.memref_squeeze %dma_wait3A_395 : memref<1x8x1024xf32, #tpu.memory_space<vmem>> -> memref<8x1024xf32, #tpu.memory_space<vmem>>
      %dma_wait3A_397 = arith.constant 0 : i32
      %dma_wait3A_398 = tpu.memref_slice %arg5[%dma_wait3A_397] : memref<1024xi32, #tpu.memory_space<vmem>> -> memref<8xi32, #tpu.memory_space<vmem>>
      %dma_wait3A_399 = arith.constant 0 : i32
      %dma_wait3A_400 = arith.constant 0 : i32
      %dma_wait3A_401 = tpu.memref_slice %arg3[%dma_wait3A_399, %dma_wait3A_400] : memref<8192x1024xf32, #tpu.memory_space<hbm>> -> memref<8192x1024xf32, #tpu.memory_space<hbm>>
      %dma_wait3A_402 = tpu.memref_slice %arg7[%dma_wait3A_392] : memref<12x!tpu.dma_semaphore, #tpu.memory_space<semaphore_mem>> -> memref<1x!tpu.dma_semaphore, #tpu.memory_space<semaphore_mem>>
      %dma_wait3A_403 = tpu.memref_squeeze %dma_wait3A_402 : memref<1x!tpu.dma_semaphore, #tpu.memory_space<semaphore_mem>> -> memref<!tpu.dma_semaphore, #tpu.memory_space<semaphore_mem>>
      tpu.wait_indirect_dma semaphore(%dma_wait3A_403 : memref<!tpu.dma_semaphore, #tpu.memory_space<semaphore_mem>>) src(%dma_wait3A_401 : memref<8192x1024xf32, #tpu.memory_space<hbm>>) dst(%dma_wait3A_396 : memref<8x1024xf32, #tpu.memory_space<vmem>>)
      %dma_wait3A_404 = arith.constant 0 : i32
      %dma_wait3A_405 = arith.constant 3 : i32
      %dma_wait3A_406 = arith.constant 24 : i32
      %dma_wait3A_407 = arith.constant 0 : i32
      %dma_wait3A_408 = tpu.memref_slice %arg6[%dma_wait3A_404, %dma_wait3A_406, %dma_wait3A_407] : memref<3x32x1024xf32, #tpu.memory_space<vmem>> -> memref<1x8x1024xf32, #tpu.memory_space<vmem>>
      %dma_wait3A_409 = tpu.memref_squeeze %dma_wait3A_408 : memref<1x8x1024xf32, #tpu.memory_space<vmem>> -> memref<8x1024xf32, #tpu.memory_space<vmem>>
      %dma_wait3A_410 = arith.constant 0 : i32
      %dma_wait3A_411 = tpu.memref_slice %arg5[%dma_wait3A_410] : memref<1024xi32, #tpu.memory_space<vmem>> -> memref<8xi32, #tpu.memory_space<vmem>>
      %dma_wait3A_412 = arith.constant 0 : i32
      %dma_wait3A_413 = arith.constant 0 : i32
      %dma_wait3A_414 = tpu.memref_slice %arg3[%dma_wait3A_412, %dma_wait3A_413] : memref<8192x1024xf32, #tpu.memory_space<hbm>> -> memref<8192x1024xf32, #tpu.memory_space<hbm>>
      %dma_wait3A_415 = tpu.memref_slice %arg7[%dma_wait3A_405] : memref<12x!tpu.dma_semaphore, #tpu.memory_space<semaphore_mem>> -> memref<1x!tpu.dma_semaphore, #tpu.memory_space<semaphore_mem>>
      %dma_wait3A_416 = tpu.memref_squeeze %dma_wait3A_415 : memref<1x!tpu.dma_semaphore, #tpu.memory_space<semaphore_mem>> -> memref<!tpu.dma_semaphore, #tpu.memory_space<semaphore_mem>>
      tpu.wait_indirect_dma semaphore(%dma_wait3A_416 : memref<!tpu.dma_semaphore, #tpu.memory_space<semaphore_mem>>) src(%dma_wait3A_414 : memref<8192x1024xf32, #tpu.memory_space<hbm>>) dst(%dma_wait3A_409 : memref<8x1024xf32, #tpu.memory_space<vmem>>)
      %mul3A_417 = arith.constant 4 : i32
      %mul3A_418 = arith.muli %add3A_364, %mul3A_417 : i32
      %mul3A_419 = arith.constant 8 : i32
      %mul3A_420 = arith.muli %mul3A_418, %mul3A_419 : i32
      %add3A_421 = arith.addi %mul3A_2, %mul3A_420 : i32
      %dma_start3A_422 = arith.constant 0 : i32
      %dma_start3A_423 = arith.constant 0 : i32
      %dma_start3A_424 = arith.constant 0 : i32
      %dma_start3A_425 = arith.constant 0 : i32
      %dma_start3A_426 = tpu.memref_slice %arg6[%dma_start3A_422, %dma_start3A_424, %dma_start3A_425] : memref<3x32x1024xf32, #tpu.memory_space<vmem>> -> memref<1x32x1024xf32, #tpu.memory_space<vmem>>
      %dma_start3A_427 = tpu.memref_squeeze %dma_start3A_426 : memref<1x32x1024xf32, #tpu.memory_space<vmem>> -> memref<32x1024xf32, #tpu.memory_space<vmem>>
      %dma_start3A_428 = arith.constant 0 : i32
      %dma_start3A_429 = tpu.memref_slice %arg4[%add3A_421, %dma_start3A_428] : memref<32768x1024xf32, #tpu.memory_space<hbm>> -> memref<32x1024xf32, #tpu.memory_space<hbm>>
      %dma_start3A_430 = tpu.memref_slice %arg8[%dma_start3A_423] : memref<3x!tpu.dma_semaphore, #tpu.memory_space<semaphore_mem>> -> memref<1x!tpu.dma_semaphore, #tpu.memory_space<semaphore_mem>>
      %dma_start3A_431 = tpu.memref_squeeze %dma_start3A_430 : memref<1x!tpu.dma_semaphore, #tpu.memory_space<semaphore_mem>> -> memref<!tpu.dma_semaphore, #tpu.memory_space<semaphore_mem>>
      %dma_start3A_432 = arith.constant 0 : i32
      %dma_start3A_433 = tpu.memref_slice %arg4[%add3A_421, %dma_start3A_432] : memref<32768x1024xf32, #tpu.memory_space<hbm>> -> memref<32x1024xf32, #tpu.memory_space<hbm>>
      %dma_start3A_434 = arith.constant 0 : i32
      %dma_start3A_435 = arith.constant 0 : i32
      %dma_start3A_436 = tpu.memref_slice %arg6[%dma_start3A_422, %dma_start3A_434, %dma_start3A_435] : memref<3x32x1024xf32, #tpu.memory_space<vmem>> -> memref<1x32x1024xf32, #tpu.memory_space<vmem>>
      %dma_start3A_437 = tpu.memref_squeeze %dma_start3A_436 : memref<1x32x1024xf32, #tpu.memory_space<vmem>> -> memref<32x1024xf32, #tpu.memory_space<vmem>>
      tpu.enqueue_dma source(%dma_start3A_437 : memref<32x1024xf32, #tpu.memory_space<vmem>>) target(%dma_start3A_433 : memref<32x1024xf32, #tpu.memory_space<hbm>>) target_semaphore(%dma_start3A_431 : memref<!tpu.dma_semaphore, #tpu.memory_space<semaphore_mem>>)
      %dma_wait3A_438 = arith.constant 0 : i32
      %dma_wait3A_439 = arith.constant 0 : i32
      %dma_wait3A_440 = arith.constant 0 : i32
      %dma_wait3A_441 = arith.constant 0 : i32
      %dma_wait3A_442 = tpu.memref_slice %arg6[%dma_wait3A_438, %dma_wait3A_440, %dma_wait3A_441] : memref<3x32x1024xf32, #tpu.memory_space<vmem>> -> memref<1x32x1024xf32, #tpu.memory_space<vmem>>
      %dma_wait3A_443 = tpu.memref_squeeze %dma_wait3A_442 : memref<1x32x1024xf32, #tpu.memory_space<vmem>> -> memref<32x1024xf32, #tpu.memory_space<vmem>>
      %dma_wait3A_444 = arith.constant 0 : i32
      %dma_wait3A_445 = tpu.memref_slice %arg4[%mul3A_2, %dma_wait3A_444] : memref<32768x1024xf32, #tpu.memory_space<hbm>> -> memref<32x1024xf32, #tpu.memory_space<hbm>>
      %dma_wait3A_446 = tpu.memref_slice %arg8[%dma_wait3A_439] : memref<3x!tpu.dma_semaphore, #tpu.memory_space<semaphore_mem>> -> memref<1x!tpu.dma_semaphore, #tpu.memory_space<semaphore_mem>>
      %dma_wait3A_447 = tpu.memref_squeeze %dma_wait3A_446 : memref<1x!tpu.dma_semaphore, #tpu.memory_space<semaphore_mem>> -> memref<!tpu.dma_semaphore, #tpu.memory_space<semaphore_mem>>
      %dma_wait3A_448 = arith.constant 0 : i32
      %dma_wait3A_449 = tpu.memref_slice %arg4[%mul3A_2, %dma_wait3A_448] : memref<32768x1024xf32, #tpu.memory_space<hbm>> -> memref<32x1024xf32, #tpu.memory_space<hbm>>
      %dma_wait3A_450 = arith.constant 0 : i32
      %dma_wait3A_451 = arith.constant 0 : i32
      %dma_wait3A_452 = tpu.memref_slice %arg6[%dma_wait3A_438, %dma_wait3A_450, %dma_wait3A_451] : memref<3x32x1024xf32, #tpu.memory_space<vmem>> -> memref<1x32x1024xf32, #tpu.memory_space<vmem>>
      %dma_wait3A_453 = tpu.memref_squeeze %dma_wait3A_452 : memref<1x32x1024xf32, #tpu.memory_space<vmem>> -> memref<32x1024xf32, #tpu.memory_space<vmem>>
      tpu.wait_dma2 semaphore(%dma_wait3A_447 : memref<!tpu.dma_semaphore, #tpu.memory_space<semaphore_mem>>) src(%dma_wait3A_453 : memref<32x1024xf32, #tpu.memory_space<vmem>>) dst(%dma_wait3A_449 : memref<32x1024xf32, #tpu.memory_space<hbm>>)
      %add3A_454 = arith.constant 1 : i32
      %add3A_455 = arith.addi %add3A_285, %add3A_454 : i32
      %add3A_456 = arith.constant 3 : i32
      %add3A_457 = arith.addi %add3A_455, %add3A_456 : i32
      %sub3A_458 = arith.constant 1 : i32
      %sub3A_459 = arith.subi %add3A_457, %sub3A_458 : i32
      %mul3A_460 = arith.constant 4 : i32
      %mul3A_461 = arith.muli %sub3A_459, %mul3A_460 : i32
      %add3A_462 = arith.constant 0 : i32
      %add3A_463 = arith.addi %mul3A_461, %add3A_462 : i32
      %mul3A_464 = arith.constant 8 : i32
      %mul3A_465 = arith.muli %add3A_463, %mul3A_464 : i32
      %dma_start3A_466 = arith.constant 0 : i32
      %dma_start3A_467 = arith.constant 0 : i32
      %dma_start3A_468 = arith.constant 0 : i32
      %dma_start3A_469 = arith.constant 0 : i32
      %dma_start3A_470 = tpu.memref_slice %arg6[%dma_start3A_466, %dma_start3A_468, %dma_start3A_469] : memref<3x32x1024xf32, #tpu.memory_space<vmem>> -> memref<1x8x1024xf32, #tpu.memory_space<vmem>>
      %dma_start3A_471 = tpu.memref_squeeze %dma_start3A_470 : memref<1x8x1024xf32, #tpu.memory_space<vmem>> -> memref<8x1024xf32, #tpu.memory_space<vmem>>
      %dma_start3A_472 = tpu.memref_slice %arg5[%mul3A_465] : memref<1024xi32, #tpu.memory_space<vmem>> -> memref<8xi32, #tpu.memory_space<vmem>>
      %dma_start3A_473 = arith.constant 0 : i32
      %dma_start3A_474 = arith.constant 0 : i32
      %dma_start3A_475 = tpu.memref_slice %arg3[%dma_start3A_473, %dma_start3A_474] : memref<8192x1024xf32, #tpu.memory_space<hbm>> -> memref<8192x1024xf32, #tpu.memory_space<hbm>>
      %dma_start3A_476 = tpu.memref_slice %arg7[%dma_start3A_467] : memref<12x!tpu.dma_semaphore, #tpu.memory_space<semaphore_mem>> -> memref<1x!tpu.dma_semaphore, #tpu.memory_space<semaphore_mem>>
      %dma_start3A_477 = tpu.memref_squeeze %dma_start3A_476 : memref<1x!tpu.dma_semaphore, #tpu.memory_space<semaphore_mem>> -> memref<!tpu.dma_semaphore, #tpu.memory_space<semaphore_mem>>
      tpu.enqueue_indirect_dma source(%dma_start3A_475 : memref<8192x1024xf32, #tpu.memory_space<hbm>>) target(%dma_start3A_471 : memref<8x1024xf32, #tpu.memory_space<vmem>>) offsets(%dma_start3A_472 : memref<8xi32, #tpu.memory_space<vmem>>) semaphore(%dma_start3A_477 : memref<!tpu.dma_semaphore, #tpu.memory_space<semaphore_mem>>)
      %mul3A_478 = arith.constant 4 : i32
      %mul3A_479 = arith.muli %sub3A_459, %mul3A_478 : i32
      %add3A_480 = arith.constant 1 : i32
      %add3A_481 = arith.addi %mul3A_479, %add3A_480 : i32
      %mul3A_482 = arith.constant 8 : i32
      %mul3A_483 = arith.muli %add3A_481, %mul3A_482 : i32
      %dma_start3A_484 = arith.constant 0 : i32
      %dma_start3A_485 = arith.constant 1 : i32
      %dma_start3A_486 = arith.constant 8 : i32
      %dma_start3A_487 = arith.constant 0 : i32
      %dma_start3A_488 = tpu.memref_slice %arg6[%dma_start3A_484, %dma_start3A_486, %dma_start3A_487] : memref<3x32x1024xf32, #tpu.memory_space<vmem>> -> memref<1x8x1024xf32, #tpu.memory_space<vmem>>
      %dma_start3A_489 = tpu.memref_squeeze %dma_start3A_488 : memref<1x8x1024xf32, #tpu.memory_space<vmem>> -> memref<8x1024xf32, #tpu.memory_space<vmem>>
      %dma_start3A_490 = tpu.memref_slice %arg5[%mul3A_483] : memref<1024xi32, #tpu.memory_space<vmem>> -> memref<8xi32, #tpu.memory_space<vmem>>
      %dma_start3A_491 = arith.constant 0 : i32
      %dma_start3A_492 = arith.constant 0 : i32
      %dma_start3A_493 = tpu.memref_slice %arg3[%dma_start3A_491, %dma_start3A_492] : memref<8192x1024xf32, #tpu.memory_space<hbm>> -> memref<8192x1024xf32, #tpu.memory_space<hbm>>
      %dma_start3A_494 = tpu.memref_slice %arg7[%dma_start3A_485] : memref<12x!tpu.dma_semaphore, #tpu.memory_space<semaphore_mem>> -> memref<1x!tpu.dma_semaphore, #tpu.memory_space<semaphore_mem>>
      %dma_start3A_495 = tpu.memref_squeeze %dma_start3A_494 : memref<1x!tpu.dma_semaphore, #tpu.memory_space<semaphore_mem>> -> memref<!tpu.dma_semaphore, #tpu.memory_space<semaphore_mem>>
      tpu.enqueue_indirect_dma source(%dma_start3A_493 : memref<8192x1024xf32, #tpu.memory_space<hbm>>) target(%dma_start3A_489 : memref<8x1024xf32, #tpu.memory_space<vmem>>) offsets(%dma_start3A_490 : memref<8xi32, #tpu.memory_space<vmem>>) semaphore(%dma_start3A_495 : memref<!tpu.dma_semaphore, #tpu.memory_space<semaphore_mem>>)
      %mul3A_496 = arith.constant 4 : i32
      %mul3A_497 = arith.muli %sub3A_459, %mul3A_496 : i32
      %add3A_498 = arith.constant 2 : i32
      %add3A_499 = arith.addi %mul3A_497, %add3A_498 : i32
      %mul3A_500 = arith.constant 8 : i32
      %mul3A_501 = arith.muli %add3A_499, %mul3A_500 : i32
      %dma_start3A_502 = arith.constant 0 : i32
      %dma_start3A_503 = arith.constant 2 : i32
      %dma_start3A_504 = arith.constant 16 : i32
      %dma_start3A_505 = arith.constant 0 : i32
      %dma_start3A_506 = tpu.memref_slice %arg6[%dma_start3A_502, %dma_start3A_504, %dma_start3A_505] : memref<3x32x1024xf32, #tpu.memory_space<vmem>> -> memref<1x8x1024xf32, #tpu.memory_space<vmem>>
      %dma_start3A_507 = tpu.memref_squeeze %dma_start3A_506 : memref<1x8x1024xf32, #tpu.memory_space<vmem>> -> memref<8x1024xf32, #tpu.memory_space<vmem>>
      %dma_start3A_508 = tpu.memref_slice %arg5[%mul3A_501] : memref<1024xi32, #tpu.memory_space<vmem>> -> memref<8xi32, #tpu.memory_space<vmem>>
      %dma_start3A_509 = arith.constant 0 : i32
      %dma_start3A_510 = arith.constant 0 : i32
      %dma_start3A_511 = tpu.memref_slice %arg3[%dma_start3A_509, %dma_start3A_510] : memref<8192x1024xf32, #tpu.memory_space<hbm>> -> memref<8192x1024xf32, #tpu.memory_space<hbm>>
      %dma_start3A_512 = tpu.memref_slice %arg7[%dma_start3A_503] : memref<12x!tpu.dma_semaphore, #tpu.memory_space<semaphore_mem>> -> memref<1x!tpu.dma_semaphore, #tpu.memory_space<semaphore_mem>>
      %dma_start3A_513 = tpu.memref_squeeze %dma_start3A_512 : memref<1x!tpu.dma_semaphore, #tpu.memory_space<semaphore_mem>> -> memref<!tpu.dma_semaphore, #tpu.memory_space<semaphore_mem>>
      tpu.enqueue_indirect_dma source(%dma_start3A_511 : memref<8192x1024xf32, #tpu.memory_space<hbm>>) target(%dma_start3A_507 : memref<8x1024xf32, #tpu.memory_space<vmem>>) offsets(%dma_start3A_508 : memref<8xi32, #tpu.memory_space<vmem>>) semaphore(%dma_start3A_513 : memref<!tpu.dma_semaphore, #tpu.memory_space<semaphore_mem>>)
      %mul3A_514 = arith.constant 4 : i32
      %mul3A_515 = arith.muli %sub3A_459, %mul3A_514 : i32
      %add3A_516 = arith.constant 3 : i32
      %add3A_517 = arith.addi %mul3A_515, %add3A_516 : i32
      %mul3A_518 = arith.constant 8 : i32
      %mul3A_519 = arith.muli %add3A_517, %mul3A_518 : i32
      %dma_start3A_520 = arith.constant 0 : i32
      %dma_start3A_521 = arith.constant 3 : i32
      %dma_start3A_522 = arith.constant 24 : i32
      %dma_start3A_523 = arith.constant 0 : i32
      %dma_start3A_524 = tpu.memref_slice %arg6[%dma_start3A_520, %dma_start3A_522, %dma_start3A_523] : memref<3x32x1024xf32, #tpu.memory_space<vmem>> -> memref<1x8x1024xf32, #tpu.memory_space<vmem>>
      %dma_start3A_525 = tpu.memref_squeeze %dma_start3A_524 : memref<1x8x1024xf32, #tpu.memory_space<vmem>> -> memref<8x1024xf32, #tpu.memory_space<vmem>>
      %dma_start3A_526 = tpu.memref_slice %arg5[%mul3A_519] : memref<1024xi32, #tpu.memory_space<vmem>> -> memref<8xi32, #tpu.memory_space<vmem>>
      %dma_start3A_527 = arith.constant 0 : i32
      %dma_start3A_528 = arith.constant 0 : i32
      %dma_start3A_529 = tpu.memref_slice %arg3[%dma_start3A_527, %dma_start3A_528] : memref<8192x1024xf32, #tpu.memory_space<hbm>> -> memref<8192x1024xf32, #tpu.memory_space<hbm>>
      %dma_start3A_530 = tpu.memref_slice %arg7[%dma_start3A_521] : memref<12x!tpu.dma_semaphore, #tpu.memory_space<semaphore_mem>> -> memref<1x!tpu.dma_semaphore, #tpu.memory_space<semaphore_mem>>
      %dma_start3A_531 = tpu.memref_squeeze %dma_start3A_530 : memref<1x!tpu.dma_semaphore, #tpu.memory_space<semaphore_mem>> -> memref<!tpu.dma_semaphore, #tpu.memory_space<semaphore_mem>>
      tpu.enqueue_indirect_dma source(%dma_start3A_529 : memref<8192x1024xf32, #tpu.memory_space<hbm>>) target(%dma_start3A_525 : memref<8x1024xf32, #tpu.memory_space<vmem>>) offsets(%dma_start3A_526 : memref<8xi32, #tpu.memory_space<vmem>>) semaphore(%dma_start3A_531 : memref<!tpu.dma_semaphore, #tpu.memory_space<semaphore_mem>>)
      %add3A_532 = arith.constant 1 : i32
      %add3A_533 = arith.addi %add3A_285, %add3A_532 : i32
      %dma_wait3A_534 = arith.constant 1 : i32
      %dma_wait3A_535 = arith.constant 4 : i32
      %dma_wait3A_536 = arith.constant 0 : i32
      %dma_wait3A_537 = arith.constant 0 : i32
      %dma_wait3A_538 = tpu.memref_slice %arg6[%dma_wait3A_534, %dma_wait3A_536, %dma_wait3A_537] : memref<3x32x1024xf32, #tpu.memory_space<vmem>> -> memref<1x8x1024xf32, #tpu.memory_space<vmem>>
      %dma_wait3A_539 = tpu.memref_squeeze %dma_wait3A_538 : memref<1x8x1024xf32, #tpu.memory_space<vmem>> -> memref<8x1024xf32, #tpu.memory_space<vmem>>
      %dma_wait3A_540 = arith.constant 0 : i32
      %dma_wait3A_541 = tpu.memref_slice %arg5[%dma_wait3A_540] : memref<1024xi32, #tpu.memory_space<vmem>> -> memref<8xi32, #tpu.memory_space<vmem>>
      %dma_wait3A_542 = arith.constant 0 : i32
      %dma_wait3A_543 = arith.constant 0 : i32
      %dma_wait3A_544 = tpu.memref_slice %arg3[%dma_wait3A_542, %dma_wait3A_543] : memref<8192x1024xf32, #tpu.memory_space<hbm>> -> memref<8192x1024xf32, #tpu.memory_space<hbm>>
      %dma_wait3A_545 = tpu.memref_slice %arg7[%dma_wait3A_535] : memref<12x!tpu.dma_semaphore, #tpu.memory_space<semaphore_mem>> -> memref<1x!tpu.dma_semaphore, #tpu.memory_space<semaphore_mem>>
      %dma_wait3A_546 = tpu.memref_squeeze %dma_wait3A_545 : memref<1x!tpu.dma_semaphore, #tpu.memory_space<semaphore_mem>> -> memref<!tpu.dma_semaphore, #tpu.memory_space<semaphore_mem>>
      tpu.wait_indirect_dma semaphore(%dma_wait3A_546 : memref<!tpu.dma_semaphore, #tpu.memory_space<semaphore_mem>>) src(%dma_wait3A_544 : memref<8192x1024xf32, #tpu.memory_space<hbm>>) dst(%dma_wait3A_539 : memref<8x1024xf32, #tpu.memory_space<vmem>>)
      %dma_wait3A_547 = arith.constant 1 : i32
      %dma_wait3A_548 = arith.constant 5 : i32
      %dma_wait3A_549 = arith.constant 8 : i32
      %dma_wait3A_550 = arith.constant 0 : i32
      %dma_wait3A_551 = tpu.memref_slice %arg6[%dma_wait3A_547, %dma_wait3A_549, %dma_wait3A_550] : memref<3x32x1024xf32, #tpu.memory_space<vmem>> -> memref<1x8x1024xf32, #tpu.memory_space<vmem>>
      %dma_wait3A_552 = tpu.memref_squeeze %dma_wait3A_551 : memref<1x8x1024xf32, #tpu.memory_space<vmem>> -> memref<8x1024xf32, #tpu.memory_space<vmem>>
      %dma_wait3A_553 = arith.constant 0 : i32
      %dma_wait3A_554 = tpu.memref_slice %arg5[%dma_wait3A_553] : memref<1024xi32, #tpu.memory_space<vmem>> -> memref<8xi32, #tpu.memory_space<vmem>>
      %dma_wait3A_555 = arith.constant 0 : i32
      %dma_wait3A_556 = arith.constant 0 : i32
      %dma_wait3A_557 = tpu.memref_slice %arg3[%dma_wait3A_555, %dma_wait3A_556] : memref<8192x1024xf32, #tpu.memory_space<hbm>> -> memref<8192x1024xf32, #tpu.memory_space<hbm>>
      %dma_wait3A_558 = tpu.memref_slice %arg7[%dma_wait3A_548] : memref<12x!tpu.dma_semaphore, #tpu.memory_space<semaphore_mem>> -> memref<1x!tpu.dma_semaphore, #tpu.memory_space<semaphore_mem>>
      %dma_wait3A_559 = tpu.memref_squeeze %dma_wait3A_558 : memref<1x!tpu.dma_semaphore, #tpu.memory_space<semaphore_mem>> -> memref<!tpu.dma_semaphore, #tpu.memory_space<semaphore_mem>>
      tpu.wait_indirect_dma semaphore(%dma_wait3A_559 : memref<!tpu.dma_semaphore, #tpu.memory_space<semaphore_mem>>) src(%dma_wait3A_557 : memref<8192x1024xf32, #tpu.memory_space<hbm>>) dst(%dma_wait3A_552 : memref<8x1024xf32, #tpu.memory_space<vmem>>)
      %dma_wait3A_560 = arith.constant 1 : i32
      %dma_wait3A_561 = arith.constant 6 : i32
      %dma_wait3A_562 = arith.constant 16 : i32
      %dma_wait3A_563 = arith.constant 0 : i32
      %dma_wait3A_564 = tpu.memref_slice %arg6[%dma_wait3A_560, %dma_wait3A_562, %dma_wait3A_563] : memref<3x32x1024xf32, #tpu.memory_space<vmem>> -> memref<1x8x1024xf32, #tpu.memory_space<vmem>>
      %dma_wait3A_565 = tpu.memref_squeeze %dma_wait3A_564 : memref<1x8x1024xf32, #tpu.memory_space<vmem>> -> memref<8x1024xf32, #tpu.memory_space<vmem>>
      %dma_wait3A_566 = arith.constant 0 : i32
      %dma_wait3A_567 = tpu.memref_slice %arg5[%dma_wait3A_566] : memref<1024xi32, #tpu.memory_space<vmem>> -> memref<8xi32, #tpu.memory_space<vmem>>
      %dma_wait3A_568 = arith.constant 0 : i32
      %dma_wait3A_569 = arith.constant 0 : i32
      %dma_wait3A_570 = tpu.memref_slice %arg3[%dma_wait3A_568, %dma_wait3A_569] : memref<8192x1024xf32, #tpu.memory_space<hbm>> -> memref<8192x1024xf32, #tpu.memory_space<hbm>>
      %dma_wait3A_571 = tpu.memref_slice %arg7[%dma_wait3A_561] : memref<12x!tpu.dma_semaphore, #tpu.memory_space<semaphore_mem>> -> memref<1x!tpu.dma_semaphore, #tpu.memory_space<semaphore_mem>>
      %dma_wait3A_572 = tpu.memref_squeeze %dma_wait3A_571 : memref<1x!tpu.dma_semaphore, #tpu.memory_space<semaphore_mem>> -> memref<!tpu.dma_semaphore, #tpu.memory_space<semaphore_mem>>
      tpu.wait_indirect_dma semaphore(%dma_wait3A_572 : memref<!tpu.dma_semaphore, #tpu.memory_space<semaphore_mem>>) src(%dma_wait3A_570 : memref<8192x1024xf32, #tpu.memory_space<hbm>>) dst(%dma_wait3A_565 : memref<8x1024xf32, #tpu.memory_space<vmem>>)
      %dma_wait3A_573 = arith.constant 1 : i32
      %dma_wait3A_574 = arith.constant 7 : i32
      %dma_wait3A_575 = arith.constant 24 : i32
      %dma_wait3A_576 = arith.constant 0 : i32
      %dma_wait3A_577 = tpu.memref_slice %arg6[%dma_wait3A_573, %dma_wait3A_575, %dma_wait3A_576] : memref<3x32x1024xf32, #tpu.memory_space<vmem>> -> memref<1x8x1024xf32, #tpu.memory_space<vmem>>
      %dma_wait3A_578 = tpu.memref_squeeze %dma_wait3A_577 : memref<1x8x1024xf32, #tpu.memory_space<vmem>> -> memref<8x1024xf32, #tpu.memory_space<vmem>>
      %dma_wait3A_579 = arith.constant 0 : i32
      %dma_wait3A_580 = tpu.memref_slice %arg5[%dma_wait3A_579] : memref<1024xi32, #tpu.memory_space<vmem>> -> memref<8xi32, #tpu.memory_space<vmem>>
      %dma_wait3A_581 = arith.constant 0 : i32
      %dma_wait3A_582 = arith.constant 0 : i32
      %dma_wait3A_583 = tpu.memref_slice %arg3[%dma_wait3A_581, %dma_wait3A_582] : memref<8192x1024xf32, #tpu.memory_space<hbm>> -> memref<8192x1024xf32, #tpu.memory_space<hbm>>
      %dma_wait3A_584 = tpu.memref_slice %arg7[%dma_wait3A_574] : memref<12x!tpu.dma_semaphore, #tpu.memory_space<semaphore_mem>> -> memref<1x!tpu.dma_semaphore, #tpu.memory_space<semaphore_mem>>
      %dma_wait3A_585 = tpu.memref_squeeze %dma_wait3A_584 : memref<1x!tpu.dma_semaphore, #tpu.memory_space<semaphore_mem>> -> memref<!tpu.dma_semaphore, #tpu.memory_space<semaphore_mem>>
      tpu.wait_indirect_dma semaphore(%dma_wait3A_585 : memref<!tpu.dma_semaphore, #tpu.memory_space<semaphore_mem>>) src(%dma_wait3A_583 : memref<8192x1024xf32, #tpu.memory_space<hbm>>) dst(%dma_wait3A_578 : memref<8x1024xf32, #tpu.memory_space<vmem>>)
      %mul3A_586 = arith.constant 4 : i32
      %mul3A_587 = arith.muli %add3A_533, %mul3A_586 : i32
      %mul3A_588 = arith.constant 8 : i32
      %mul3A_589 = arith.muli %mul3A_587, %mul3A_588 : i32
      %add3A_590 = arith.addi %mul3A_2, %mul3A_589 : i32
      %dma_start3A_591 = arith.constant 1 : i32
      %dma_start3A_592 = arith.constant 1 : i32
      %dma_start3A_593 = arith.constant 0 : i32
      %dma_start3A_594 = arith.constant 0 : i32
      %dma_start3A_595 = tpu.memref_slice %arg6[%dma_start3A_591, %dma_start3A_593, %dma_start3A_594] : memref<3x32x1024xf32, #tpu.memory_space<vmem>> -> memref<1x32x1024xf32, #tpu.memory_space<vmem>>
      %dma_start3A_596 = tpu.memref_squeeze %dma_start3A_595 : memref<1x32x1024xf32, #tpu.memory_space<vmem>> -> memref<32x1024xf32, #tpu.memory_space<vmem>>
      %dma_start3A_597 = arith.constant 0 : i32
      %dma_start3A_598 = tpu.memref_slice %arg4[%add3A_590, %dma_start3A_597] : memref<32768x1024xf32, #tpu.memory_space<hbm>> -> memref<32x1024xf32, #tpu.memory_space<hbm>>
      %dma_start3A_599 = tpu.memref_slice %arg8[%dma_start3A_592] : memref<3x!tpu.dma_semaphore, #tpu.memory_space<semaphore_mem>> -> memref<1x!tpu.dma_semaphore, #tpu.memory_space<semaphore_mem>>
      %dma_start3A_600 = tpu.memref_squeeze %dma_start3A_599 : memref<1x!tpu.dma_semaphore, #tpu.memory_space<semaphore_mem>> -> memref<!tpu.dma_semaphore, #tpu.memory_space<semaphore_mem>>
      %dma_start3A_601 = arith.constant 0 : i32
      %dma_start3A_602 = tpu.memref_slice %arg4[%add3A_590, %dma_start3A_601] : memref<32768x1024xf32, #tpu.memory_space<hbm>> -> memref<32x1024xf32, #tpu.memory_space<hbm>>
      %dma_start3A_603 = arith.constant 0 : i32
      %dma_start3A_604 = arith.constant 0 : i32
      %dma_start3A_605 = tpu.memref_slice %arg6[%dma_start3A_591, %dma_start3A_603, %dma_start3A_604] : memref<3x32x1024xf32, #tpu.memory_space<vmem>> -> memref<1x32x1024xf32, #tpu.memory_space<vmem>>
      %dma_start3A_606 = tpu.memref_squeeze %dma_start3A_605 : memref<1x32x1024xf32, #tpu.memory_space<vmem>> -> memref<32x1024xf32, #tpu.memory_space<vmem>>
      tpu.enqueue_dma source(%dma_start3A_606 : memref<32x1024xf32, #tpu.memory_space<vmem>>) target(%dma_start3A_602 : memref<32x1024xf32, #tpu.memory_space<hbm>>) target_semaphore(%dma_start3A_600 : memref<!tpu.dma_semaphore, #tpu.memory_space<semaphore_mem>>)
      %dma_wait3A_607 = arith.constant 1 : i32
      %dma_wait3A_608 = arith.constant 1 : i32
      %dma_wait3A_609 = arith.constant 0 : i32
      %dma_wait3A_610 = arith.constant 0 : i32
      %dma_wait3A_611 = tpu.memref_slice %arg6[%dma_wait3A_607, %dma_wait3A_609, %dma_wait3A_610] : memref<3x32x1024xf32, #tpu.memory_space<vmem>> -> memref<1x32x1024xf32, #tpu.memory_space<vmem>>
      %dma_wait3A_612 = tpu.memref_squeeze %dma_wait3A_611 : memref<1x32x1024xf32, #tpu.memory_space<vmem>> -> memref<32x1024xf32, #tpu.memory_space<vmem>>
      %dma_wait3A_613 = arith.constant 0 : i32
      %dma_wait3A_614 = tpu.memref_slice %arg4[%mul3A_2, %dma_wait3A_613] : memref<32768x1024xf32, #tpu.memory_space<hbm>> -> memref<32x1024xf32, #tpu.memory_space<hbm>>
      %dma_wait3A_615 = tpu.memref_slice %arg8[%dma_wait3A_608] : memref<3x!tpu.dma_semaphore, #tpu.memory_space<semaphore_mem>> -> memref<1x!tpu.dma_semaphore, #tpu.memory_space<semaphore_mem>>
      %dma_wait3A_616 = tpu.memref_squeeze %dma_wait3A_615 : memref<1x!tpu.dma_semaphore, #tpu.memory_space<semaphore_mem>> -> memref<!tpu.dma_semaphore, #tpu.memory_space<semaphore_mem>>
      %dma_wait3A_617 = arith.constant 0 : i32
      %dma_wait3A_618 = tpu.memref_slice %arg4[%mul3A_2, %dma_wait3A_617] : memref<32768x1024xf32, #tpu.memory_space<hbm>> -> memref<32x1024xf32, #tpu.memory_space<hbm>>
      %dma_wait3A_619 = arith.constant 0 : i32
      %dma_wait3A_620 = arith.constant 0 : i32
      %dma_wait3A_621 = tpu.memref_slice %arg6[%dma_wait3A_607, %dma_wait3A_619, %dma_wait3A_620] : memref<3x32x1024xf32, #tpu.memory_space<vmem>> -> memref<1x32x1024xf32, #tpu.memory_space<vmem>>
      %dma_wait3A_622 = tpu.memref_squeeze %dma_wait3A_621 : memref<1x32x1024xf32, #tpu.memory_space<vmem>> -> memref<32x1024xf32, #tpu.memory_space<vmem>>
      tpu.wait_dma2 semaphore(%dma_wait3A_616 : memref<!tpu.dma_semaphore, #tpu.memory_space<semaphore_mem>>) src(%dma_wait3A_622 : memref<32x1024xf32, #tpu.memory_space<vmem>>) dst(%dma_wait3A_618 : memref<32x1024xf32, #tpu.memory_space<hbm>>)
      %add3A_623 = arith.constant 2 : i32
      %add3A_624 = arith.addi %add3A_285, %add3A_623 : i32
      %add3A_625 = arith.constant 3 : i32
      %add3A_626 = arith.addi %add3A_624, %add3A_625 : i32
      %sub3A_627 = arith.constant 1 : i32
      %sub3A_628 = arith.subi %add3A_626, %sub3A_627 : i32
      %mul3A_629 = arith.constant 4 : i32
      %mul3A_630 = arith.muli %sub3A_628, %mul3A_629 : i32
      %add3A_631 = arith.constant 0 : i32
      %add3A_632 = arith.addi %mul3A_630, %add3A_631 : i32
      %mul3A_633 = arith.constant 8 : i32
      %mul3A_634 = arith.muli %add3A_632, %mul3A_633 : i32
      %dma_start3A_635 = arith.constant 1 : i32
      %dma_start3A_636 = arith.constant 4 : i32
      %dma_start3A_637 = arith.constant 0 : i32
      %dma_start3A_638 = arith.constant 0 : i32
      %dma_start3A_639 = tpu.memref_slice %arg6[%dma_start3A_635, %dma_start3A_637, %dma_start3A_638] : memref<3x32x1024xf32, #tpu.memory_space<vmem>> -> memref<1x8x1024xf32, #tpu.memory_space<vmem>>
      %dma_start3A_640 = tpu.memref_squeeze %dma_start3A_639 : memref<1x8x1024xf32, #tpu.memory_space<vmem>> -> memref<8x1024xf32, #tpu.memory_space<vmem>>
      %dma_start3A_641 = tpu.memref_slice %arg5[%mul3A_634] : memref<1024xi32, #tpu.memory_space<vmem>> -> memref<8xi32, #tpu.memory_space<vmem>>
      %dma_start3A_642 = arith.constant 0 : i32
      %dma_start3A_643 = arith.constant 0 : i32
      %dma_start3A_644 = tpu.memref_slice %arg3[%dma_start3A_642, %dma_start3A_643] : memref<8192x1024xf32, #tpu.memory_space<hbm>> -> memref<8192x1024xf32, #tpu.memory_space<hbm>>
      %dma_start3A_645 = tpu.memref_slice %arg7[%dma_start3A_636] : memref<12x!tpu.dma_semaphore, #tpu.memory_space<semaphore_mem>> -> memref<1x!tpu.dma_semaphore, #tpu.memory_space<semaphore_mem>>
      %dma_start3A_646 = tpu.memref_squeeze %dma_start3A_645 : memref<1x!tpu.dma_semaphore, #tpu.memory_space<semaphore_mem>> -> memref<!tpu.dma_semaphore, #tpu.memory_space<semaphore_mem>>
      tpu.enqueue_indirect_dma source(%dma_start3A_644 : memref<8192x1024xf32, #tpu.memory_space<hbm>>) target(%dma_start3A_640 : memref<8x1024xf32, #tpu.memory_space<vmem>>) offsets(%dma_start3A_641 : memref<8xi32, #tpu.memory_space<vmem>>) semaphore(%dma_start3A_646 : memref<!tpu.dma_semaphore, #tpu.memory_space<semaphore_mem>>)
      %mul3A_647 = arith.constant 4 : i32
      %mul3A_648 = arith.muli %sub3A_628, %mul3A_647 : i32
      %add3A_649 = arith.constant 1 : i32
      %add3A_650 = arith.addi %mul3A_648, %add3A_649 : i32
      %mul3A_651 = arith.constant 8 : i32
      %mul3A_652 = arith.muli %add3A_650, %mul3A_651 : i32
      %dma_start3A_653 = arith.constant 1 : i32
      %dma_start3A_654 = arith.constant 5 : i32
      %dma_start3A_655 = arith.constant 8 : i32
      %dma_start3A_656 = arith.constant 0 : i32
      %dma_start3A_657 = tpu.memref_slice %arg6[%dma_start3A_653, %dma_start3A_655, %dma_start3A_656] : memref<3x32x1024xf32, #tpu.memory_space<vmem>> -> memref<1x8x1024xf32, #tpu.memory_space<vmem>>
      %dma_start3A_658 = tpu.memref_squeeze %dma_start3A_657 : memref<1x8x1024xf32, #tpu.memory_space<vmem>> -> memref<8x1024xf32, #tpu.memory_space<vmem>>
      %dma_start3A_659 = tpu.memref_slice %arg5[%mul3A_652] : memref<1024xi32, #tpu.memory_space<vmem>> -> memref<8xi32, #tpu.memory_space<vmem>>
      %dma_start3A_660 = arith.constant 0 : i32
      %dma_start3A_661 = arith.constant 0 : i32
      %dma_start3A_662 = tpu.memref_slice %arg3[%dma_start3A_660, %dma_start3A_661] : memref<8192x1024xf32, #tpu.memory_space<hbm>> -> memref<8192x1024xf32, #tpu.memory_space<hbm>>
      %dma_start3A_663 = tpu.memref_slice %arg7[%dma_start3A_654] : memref<12x!tpu.dma_semaphore, #tpu.memory_space<semaphore_mem>> -> memref<1x!tpu.dma_semaphore, #tpu.memory_space<semaphore_mem>>
      %dma_start3A_664 = tpu.memref_squeeze %dma_start3A_663 : memref<1x!tpu.dma_semaphore, #tpu.memory_space<semaphore_mem>> -> memref<!tpu.dma_semaphore, #tpu.memory_space<semaphore_mem>>
      tpu.enqueue_indirect_dma source(%dma_start3A_662 : memref<8192x1024xf32, #tpu.memory_space<hbm>>) target(%dma_start3A_658 : memref<8x1024xf32, #tpu.memory_space<vmem>>) offsets(%dma_start3A_659 : memref<8xi32, #tpu.memory_space<vmem>>) semaphore(%dma_start3A_664 : memref<!tpu.dma_semaphore, #tpu.memory_space<semaphore_mem>>)
      %mul3A_665 = arith.constant 4 : i32
      %mul3A_666 = arith.muli %sub3A_628, %mul3A_665 : i32
      %add3A_667 = arith.constant 2 : i32
      %add3A_668 = arith.addi %mul3A_666, %add3A_667 : i32
      %mul3A_669 = arith.constant 8 : i32
      %mul3A_670 = arith.muli %add3A_668, %mul3A_669 : i32
      %dma_start3A_671 = arith.constant 1 : i32
      %dma_start3A_672 = arith.constant 6 : i32
      %dma_start3A_673 = arith.constant 16 : i32
      %dma_start3A_674 = arith.constant 0 : i32
      %dma_start3A_675 = tpu.memref_slice %arg6[%dma_start3A_671, %dma_start3A_673, %dma_start3A_674] : memref<3x32x1024xf32, #tpu.memory_space<vmem>> -> memref<1x8x1024xf32, #tpu.memory_space<vmem>>
      %dma_start3A_676 = tpu.memref_squeeze %dma_start3A_675 : memref<1x8x1024xf32, #tpu.memory_space<vmem>> -> memref<8x1024xf32, #tpu.memory_space<vmem>>
      %dma_start3A_677 = tpu.memref_slice %arg5[%mul3A_670] : memref<1024xi32, #tpu.memory_space<vmem>> -> memref<8xi32, #tpu.memory_space<vmem>>
      %dma_start3A_678 = arith.constant 0 : i32
      %dma_start3A_679 = arith.constant 0 : i32
      %dma_start3A_680 = tpu.memref_slice %arg3[%dma_start3A_678, %dma_start3A_679] : memref<8192x1024xf32, #tpu.memory_space<hbm>> -> memref<8192x1024xf32, #tpu.memory_space<hbm>>
      %dma_start3A_681 = tpu.memref_slice %arg7[%dma_start3A_672] : memref<12x!tpu.dma_semaphore, #tpu.memory_space<semaphore_mem>> -> memref<1x!tpu.dma_semaphore, #tpu.memory_space<semaphore_mem>>
      %dma_start3A_682 = tpu.memref_squeeze %dma_start3A_681 : memref<1x!tpu.dma_semaphore, #tpu.memory_space<semaphore_mem>> -> memref<!tpu.dma_semaphore, #tpu.memory_space<semaphore_mem>>
      tpu.enqueue_indirect_dma source(%dma_start3A_680 : memref<8192x1024xf32, #tpu.memory_space<hbm>>) target(%dma_start3A_676 : memref<8x1024xf32, #tpu.memory_space<vmem>>) offsets(%dma_start3A_677 : memref<8xi32, #tpu.memory_space<vmem>>) semaphore(%dma_start3A_682 : memref<!tpu.dma_semaphore, #tpu.memory_space<semaphore_mem>>)
      %mul3A_683 = arith.constant 4 : i32
      %mul3A_684 = arith.muli %sub3A_628, %mul3A_683 : i32
      %add3A_685 = arith.constant 3 : i32
      %add3A_686 = arith.addi %mul3A_684, %add3A_685 : i32
      %mul3A_687 = arith.constant 8 : i32
      %mul3A_688 = arith.muli %add3A_686, %mul3A_687 : i32
      %dma_start3A_689 = arith.constant 1 : i32
      %dma_start3A_690 = arith.constant 7 : i32
      %dma_start3A_691 = arith.constant 24 : i32
      %dma_start3A_692 = arith.constant 0 : i32
      %dma_start3A_693 = tpu.memref_slice %arg6[%dma_start3A_689, %dma_start3A_691, %dma_start3A_692] : memref<3x32x1024xf32, #tpu.memory_space<vmem>> -> memref<1x8x1024xf32, #tpu.memory_space<vmem>>
      %dma_start3A_694 = tpu.memref_squeeze %dma_start3A_693 : memref<1x8x1024xf32, #tpu.memory_space<vmem>> -> memref<8x1024xf32, #tpu.memory_space<vmem>>
      %dma_start3A_695 = tpu.memref_slice %arg5[%mul3A_688] : memref<1024xi32, #tpu.memory_space<vmem>> -> memref<8xi32, #tpu.memory_space<vmem>>
      %dma_start3A_696 = arith.constant 0 : i32
      %dma_start3A_697 = arith.constant 0 : i32
      %dma_start3A_698 = tpu.memref_slice %arg3[%dma_start3A_696, %dma_start3A_697] : memref<8192x1024xf32, #tpu.memory_space<hbm>> -> memref<8192x1024xf32, #tpu.memory_space<hbm>>
      %dma_start3A_699 = tpu.memref_slice %arg7[%dma_start3A_690] : memref<12x!tpu.dma_semaphore, #tpu.memory_space<semaphore_mem>> -> memref<1x!tpu.dma_semaphore, #tpu.memory_space<semaphore_mem>>
      %dma_start3A_700 = tpu.memref_squeeze %dma_start3A_699 : memref<1x!tpu.dma_semaphore, #tpu.memory_space<semaphore_mem>> -> memref<!tpu.dma_semaphore, #tpu.memory_space<semaphore_mem>>
      tpu.enqueue_indirect_dma source(%dma_start3A_698 : memref<8192x1024xf32, #tpu.memory_space<hbm>>) target(%dma_start3A_694 : memref<8x1024xf32, #tpu.memory_space<vmem>>) offsets(%dma_start3A_695 : memref<8xi32, #tpu.memory_space<vmem>>) semaphore(%dma_start3A_700 : memref<!tpu.dma_semaphore, #tpu.memory_space<semaphore_mem>>)
      %add3A_701 = arith.constant 2 : i32
      %add3A_702 = arith.addi %add3A_285, %add3A_701 : i32
      %dma_wait3A_703 = arith.constant 2 : i32
      %dma_wait3A_704 = arith.constant 8 : i32
      %dma_wait3A_705 = arith.constant 0 : i32
      %dma_wait3A_706 = arith.constant 0 : i32
      %dma_wait3A_707 = tpu.memref_slice %arg6[%dma_wait3A_703, %dma_wait3A_705, %dma_wait3A_706] : memref<3x32x1024xf32, #tpu.memory_space<vmem>> -> memref<1x8x1024xf32, #tpu.memory_space<vmem>>
      %dma_wait3A_708 = tpu.memref_squeeze %dma_wait3A_707 : memref<1x8x1024xf32, #tpu.memory_space<vmem>> -> memref<8x1024xf32, #tpu.memory_space<vmem>>
      %dma_wait3A_709 = arith.constant 0 : i32
      %dma_wait3A_710 = tpu.memref_slice %arg5[%dma_wait3A_709] : memref<1024xi32, #tpu.memory_space<vmem>> -> memref<8xi32, #tpu.memory_space<vmem>>
      %dma_wait3A_711 = arith.constant 0 : i32
      %dma_wait3A_712 = arith.constant 0 : i32
      %dma_wait3A_713 = tpu.memref_slice %arg3[%dma_wait3A_711, %dma_wait3A_712] : memref<8192x1024xf32, #tpu.memory_space<hbm>> -> memref<8192x1024xf32, #tpu.memory_space<hbm>>
      %dma_wait3A_714 = tpu.memref_slice %arg7[%dma_wait3A_704] : memref<12x!tpu.dma_semaphore, #tpu.memory_space<semaphore_mem>> -> memref<1x!tpu.dma_semaphore, #tpu.memory_space<semaphore_mem>>
      %dma_wait3A_715 = tpu.memref_squeeze %dma_wait3A_714 : memref<1x!tpu.dma_semaphore, #tpu.memory_space<semaphore_mem>> -> memref<!tpu.dma_semaphore, #tpu.memory_space<semaphore_mem>>
      tpu.wait_indirect_dma semaphore(%dma_wait3A_715 : memref<!tpu.dma_semaphore, #tpu.memory_space<semaphore_mem>>) src(%dma_wait3A_713 : memref<8192x1024xf32, #tpu.memory_space<hbm>>) dst(%dma_wait3A_708 : memref<8x1024xf32, #tpu.memory_space<vmem>>)
      %dma_wait3A_716 = arith.constant 2 : i32
      %dma_wait3A_717 = arith.constant 9 : i32
      %dma_wait3A_718 = arith.constant 8 : i32
      %dma_wait3A_719 = arith.constant 0 : i32
      %dma_wait3A_720 = tpu.memref_slice %arg6[%dma_wait3A_716, %dma_wait3A_718, %dma_wait3A_719] : memref<3x32x1024xf32, #tpu.memory_space<vmem>> -> memref<1x8x1024xf32, #tpu.memory_space<vmem>>
      %dma_wait3A_721 = tpu.memref_squeeze %dma_wait3A_720 : memref<1x8x1024xf32, #tpu.memory_space<vmem>> -> memref<8x1024xf32, #tpu.memory_space<vmem>>
      %dma_wait3A_722 = arith.constant 0 : i32
      %dma_wait3A_723 = tpu.memref_slice %arg5[%dma_wait3A_722] : memref<1024xi32, #tpu.memory_space<vmem>> -> memref<8xi32, #tpu.memory_space<vmem>>
      %dma_wait3A_724 = arith.constant 0 : i32
      %dma_wait3A_725 = arith.constant 0 : i32
      %dma_wait3A_726 = tpu.memref_slice %arg3[%dma_wait3A_724, %dma_wait3A_725] : memref<8192x1024xf32, #tpu.memory_space<hbm>> -> memref<8192x1024xf32, #tpu.memory_space<hbm>>
      %dma_wait3A_727 = tpu.memref_slice %arg7[%dma_wait3A_717] : memref<12x!tpu.dma_semaphore, #tpu.memory_space<semaphore_mem>> -> memref<1x!tpu.dma_semaphore, #tpu.memory_space<semaphore_mem>>
      %dma_wait3A_728 = tpu.memref_squeeze %dma_wait3A_727 : memref<1x!tpu.dma_semaphore, #tpu.memory_space<semaphore_mem>> -> memref<!tpu.dma_semaphore, #tpu.memory_space<semaphore_mem>>
      tpu.wait_indirect_dma semaphore(%dma_wait3A_728 : memref<!tpu.dma_semaphore, #tpu.memory_space<semaphore_mem>>) src(%dma_wait3A_726 : memref<8192x1024xf32, #tpu.memory_space<hbm>>) dst(%dma_wait3A_721 : memref<8x1024xf32, #tpu.memory_space<vmem>>)
      %dma_wait3A_729 = arith.constant 2 : i32
      %dma_wait3A_730 = arith.constant 10 : i32
      %dma_wait3A_731 = arith.constant 16 : i32
      %dma_wait3A_732 = arith.constant 0 : i32
      %dma_wait3A_733 = tpu.memref_slice %arg6[%dma_wait3A_729, %dma_wait3A_731, %dma_wait3A_732] : memref<3x32x1024xf32, #tpu.memory_space<vmem>> -> memref<1x8x1024xf32, #tpu.memory_space<vmem>>
      %dma_wait3A_734 = tpu.memref_squeeze %dma_wait3A_733 : memref<1x8x1024xf32, #tpu.memory_space<vmem>> -> memref<8x1024xf32, #tpu.memory_space<vmem>>
      %dma_wait3A_735 = arith.constant 0 : i32
      %dma_wait3A_736 = tpu.memref_slice %arg5[%dma_wait3A_735] : memref<1024xi32, #tpu.memory_space<vmem>> -> memref<8xi32, #tpu.memory_space<vmem>>
      %dma_wait3A_737 = arith.constant 0 : i32
      %dma_wait3A_738 = arith.constant 0 : i32
      %dma_wait3A_739 = tpu.memref_slice %arg3[%dma_wait3A_737, %dma_wait3A_738] : memref<8192x1024xf32, #tpu.memory_space<hbm>> -> memref<8192x1024xf32, #tpu.memory_space<hbm>>
      %dma_wait3A_740 = tpu.memref_slice %arg7[%dma_wait3A_730] : memref<12x!tpu.dma_semaphore, #tpu.memory_space<semaphore_mem>> -> memref<1x!tpu.dma_semaphore, #tpu.memory_space<semaphore_mem>>
      %dma_wait3A_741 = tpu.memref_squeeze %dma_wait3A_740 : memref<1x!tpu.dma_semaphore, #tpu.memory_space<semaphore_mem>> -> memref<!tpu.dma_semaphore, #tpu.memory_space<semaphore_mem>>
      tpu.wait_indirect_dma semaphore(%dma_wait3A_741 : memref<!tpu.dma_semaphore, #tpu.memory_space<semaphore_mem>>) src(%dma_wait3A_739 : memref<8192x1024xf32, #tpu.memory_space<hbm>>) dst(%dma_wait3A_734 : memref<8x1024xf32, #tpu.memory_space<vmem>>)
      %dma_wait3A_742 = arith.constant 2 : i32
      %dma_wait3A_743 = arith.constant 11 : i32
      %dma_wait3A_744 = arith.constant 24 : i32
      %dma_wait3A_745 = arith.constant 0 : i32
      %dma_wait3A_746 = tpu.memref_slice %arg6[%dma_wait3A_742, %dma_wait3A_744, %dma_wait3A_745] : memref<3x32x1024xf32, #tpu.memory_space<vmem>> -> memref<1x8x1024xf32, #tpu.memory_space<vmem>>
      %dma_wait3A_747 = tpu.memref_squeeze %dma_wait3A_746 : memref<1x8x1024xf32, #tpu.memory_space<vmem>> -> memref<8x1024xf32, #tpu.memory_space<vmem>>
      %dma_wait3A_748 = arith.constant 0 : i32
      %dma_wait3A_749 = tpu.memref_slice %arg5[%dma_wait3A_748] : memref<1024xi32, #tpu.memory_space<vmem>> -> memref<8xi32, #tpu.memory_space<vmem>>
      %dma_wait3A_750 = arith.constant 0 : i32
      %dma_wait3A_751 = arith.constant 0 : i32
      %dma_wait3A_752 = tpu.memref_slice %arg3[%dma_wait3A_750, %dma_wait3A_751] : memref<8192x1024xf32, #tpu.memory_space<hbm>> -> memref<8192x1024xf32, #tpu.memory_space<hbm>>
      %dma_wait3A_753 = tpu.memref_slice %arg7[%dma_wait3A_743] : memref<12x!tpu.dma_semaphore, #tpu.memory_space<semaphore_mem>> -> memref<1x!tpu.dma_semaphore, #tpu.memory_space<semaphore_mem>>
      %dma_wait3A_754 = tpu.memref_squeeze %dma_wait3A_753 : memref<1x!tpu.dma_semaphore, #tpu.memory_space<semaphore_mem>> -> memref<!tpu.dma_semaphore, #tpu.memory_space<semaphore_mem>>
      tpu.wait_indirect_dma semaphore(%dma_wait3A_754 : memref<!tpu.dma_semaphore, #tpu.memory_space<semaphore_mem>>) src(%dma_wait3A_752 : memref<8192x1024xf32, #tpu.memory_space<hbm>>) dst(%dma_wait3A_747 : memref<8x1024xf32, #tpu.memory_space<vmem>>)
      %mul3A_755 = arith.constant 4 : i32
      %mul3A_756 = arith.muli %add3A_702, %mul3A_755 : i32
      %mul3A_757 = arith.constant 8 : i32
      %mul3A_758 = arith.muli %mul3A_756, %mul3A_757 : i32
      %add3A_759 = arith.addi %mul3A_2, %mul3A_758 : i32
      %dma_start3A_760 = arith.constant 2 : i32
      %dma_start3A_761 = arith.constant 2 : i32
      %dma_start3A_762 = arith.constant 0 : i32
      %dma_start3A_763 = arith.constant 0 : i32
      %dma_start3A_764 = tpu.memref_slice %arg6[%dma_start3A_760, %dma_start3A_762, %dma_start3A_763] : memref<3x32x1024xf32, #tpu.memory_space<vmem>> -> memref<1x32x1024xf32, #tpu.memory_space<vmem>>
      %dma_start3A_765 = tpu.memref_squeeze %dma_start3A_764 : memref<1x32x1024xf32, #tpu.memory_space<vmem>> -> memref<32x1024xf32, #tpu.memory_space<vmem>>
      %dma_start3A_766 = arith.constant 0 : i32
      %dma_start3A_767 = tpu.memref_slice %arg4[%add3A_759, %dma_start3A_766] : memref<32768x1024xf32, #tpu.memory_space<hbm>> -> memref<32x1024xf32, #tpu.memory_space<hbm>>
      %dma_start3A_768 = tpu.memref_slice %arg8[%dma_start3A_761] : memref<3x!tpu.dma_semaphore, #tpu.memory_space<semaphore_mem>> -> memref<1x!tpu.dma_semaphore, #tpu.memory_space<semaphore_mem>>
      %dma_start3A_769 = tpu.memref_squeeze %dma_start3A_768 : memref<1x!tpu.dma_semaphore, #tpu.memory_space<semaphore_mem>> -> memref<!tpu.dma_semaphore, #tpu.memory_space<semaphore_mem>>
      %dma_start3A_770 = arith.constant 0 : i32
      %dma_start3A_771 = tpu.memref_slice %arg4[%add3A_759, %dma_start3A_770] : memref<32768x1024xf32, #tpu.memory_space<hbm>> -> memref<32x1024xf32, #tpu.memory_space<hbm>>
      %dma_start3A_772 = arith.constant 0 : i32
      %dma_start3A_773 = arith.constant 0 : i32
      %dma_start3A_774 = tpu.memref_slice %arg6[%dma_start3A_760, %dma_start3A_772, %dma_start3A_773] : memref<3x32x1024xf32, #tpu.memory_space<vmem>> -> memref<1x32x1024xf32, #tpu.memory_space<vmem>>
      %dma_start3A_775 = tpu.memref_squeeze %dma_start3A_774 : memref<1x32x1024xf32, #tpu.memory_space<vmem>> -> memref<32x1024xf32, #tpu.memory_space<vmem>>
      tpu.enqueue_dma source(%dma_start3A_775 : memref<32x1024xf32, #tpu.memory_space<vmem>>) target(%dma_start3A_771 : memref<32x1024xf32, #tpu.memory_space<hbm>>) target_semaphore(%dma_start3A_769 : memref<!tpu.dma_semaphore, #tpu.memory_space<semaphore_mem>>)
      %dma_wait3A_776 = arith.constant 2 : i32
      %dma_wait3A_777 = arith.constant 2 : i32
      %dma_wait3A_778 = arith.constant 0 : i32
      %dma_wait3A_779 = arith.constant 0 : i32
      %dma_wait3A_780 = tpu.memref_slice %arg6[%dma_wait3A_776, %dma_wait3A_778, %dma_wait3A_779] : memref<3x32x1024xf32, #tpu.memory_space<vmem>> -> memref<1x32x1024xf32, #tpu.memory_space<vmem>>
      %dma_wait3A_781 = tpu.memref_squeeze %dma_wait3A_780 : memref<1x32x1024xf32, #tpu.memory_space<vmem>> -> memref<32x1024xf32, #tpu.memory_space<vmem>>
      %dma_wait3A_782 = arith.constant 0 : i32
      %dma_wait3A_783 = tpu.memref_slice %arg4[%mul3A_2, %dma_wait3A_782] : memref<32768x1024xf32, #tpu.memory_space<hbm>> -> memref<32x1024xf32, #tpu.memory_space<hbm>>
      %dma_wait3A_784 = tpu.memref_slice %arg8[%dma_wait3A_777] : memref<3x!tpu.dma_semaphore, #tpu.memory_space<semaphore_mem>> -> memref<1x!tpu.dma_semaphore, #tpu.memory_space<semaphore_mem>>
      %dma_wait3A_785 = tpu.memref_squeeze %dma_wait3A_784 : memref<1x!tpu.dma_semaphore, #tpu.memory_space<semaphore_mem>> -> memref<!tpu.dma_semaphore, #tpu.memory_space<semaphore_mem>>
      %dma_wait3A_786 = arith.constant 0 : i32
      %dma_wait3A_787 = tpu.memref_slice %arg4[%mul3A_2, %dma_wait3A_786] : memref<32768x1024xf32, #tpu.memory_space<hbm>> -> memref<32x1024xf32, #tpu.memory_space<hbm>>
      %dma_wait3A_788 = arith.constant 0 : i32
      %dma_wait3A_789 = arith.constant 0 : i32
      %dma_wait3A_790 = tpu.memref_slice %arg6[%dma_wait3A_776, %dma_wait3A_788, %dma_wait3A_789] : memref<3x32x1024xf32, #tpu.memory_space<vmem>> -> memref<1x32x1024xf32, #tpu.memory_space<vmem>>
      %dma_wait3A_791 = tpu.memref_squeeze %dma_wait3A_790 : memref<1x32x1024xf32, #tpu.memory_space<vmem>> -> memref<32x1024xf32, #tpu.memory_space<vmem>>
      tpu.wait_dma2 semaphore(%dma_wait3A_785 : memref<!tpu.dma_semaphore, #tpu.memory_space<semaphore_mem>>) src(%dma_wait3A_791 : memref<32x1024xf32, #tpu.memory_space<vmem>>) dst(%dma_wait3A_787 : memref<32x1024xf32, #tpu.memory_space<hbm>>)
    }
    %scan3A_109 = arith.constant 10 : i32
    %dma_wait3A = arith.constant 0 : i32
    %dma_wait3A_110 = arith.constant 0 : i32
    %dma_wait3A_111 = arith.constant 0 : i32
    %dma_wait3A_112 = arith.constant 0 : i32
    %dma_wait3A_113 = tpu.memref_slice %arg6[%dma_wait3A, %dma_wait3A_111, %dma_wait3A_112] : memref<3x32x1024xf32, #tpu.memory_space<vmem>> -> memref<1x8x1024xf32, #tpu.memory_space<vmem>>
    %dma_wait3A_114 = tpu.memref_squeeze %dma_wait3A_113 : memref<1x8x1024xf32, #tpu.memory_space<vmem>> -> memref<8x1024xf32, #tpu.memory_space<vmem>>
    %dma_wait3A_115 = arith.constant 0 : i32
    %dma_wait3A_116 = tpu.memref_slice %arg5[%dma_wait3A_115] : memref<1024xi32, #tpu.memory_space<vmem>> -> memref<8xi32, #tpu.memory_space<vmem>>
    %dma_wait3A_117 = arith.constant 0 : i32
    %dma_wait3A_118 = arith.constant 0 : i32
    %dma_wait3A_119 = tpu.memref_slice %arg3[%dma_wait3A_117, %dma_wait3A_118] : memref<8192x1024xf32, #tpu.memory_space<hbm>> -> memref<8192x1024xf32, #tpu.memory_space<hbm>>
    %dma_wait3A_120 = tpu.memref_slice %arg7[%dma_wait3A_110] : memref<12x!tpu.dma_semaphore, #tpu.memory_space<semaphore_mem>> -> memref<1x!tpu.dma_semaphore, #tpu.memory_space<semaphore_mem>>
    %dma_wait3A_121 = tpu.memref_squeeze %dma_wait3A_120 : memref<1x!tpu.dma_semaphore, #tpu.memory_space<semaphore_mem>> -> memref<!tpu.dma_semaphore, #tpu.memory_space<semaphore_mem>>
    tpu.wait_indirect_dma semaphore(%dma_wait3A_121 : memref<!tpu.dma_semaphore, #tpu.memory_space<semaphore_mem>>) src(%dma_wait3A_119 : memref<8192x1024xf32, #tpu.memory_space<hbm>>) dst(%dma_wait3A_114 : memref<8x1024xf32, #tpu.memory_space<vmem>>)
    %dma_wait3A_122 = arith.constant 0 : i32
    %dma_wait3A_123 = arith.constant 1 : i32
    %dma_wait3A_124 = arith.constant 8 : i32
    %dma_wait3A_125 = arith.constant 0 : i32
    %dma_wait3A_126 = tpu.memref_slice %arg6[%dma_wait3A_122, %dma_wait3A_124, %dma_wait3A_125] : memref<3x32x1024xf32, #tpu.memory_space<vmem>> -> memref<1x8x1024xf32, #tpu.memory_space<vmem>>
    %dma_wait3A_127 = tpu.memref_squeeze %dma_wait3A_126 : memref<1x8x1024xf32, #tpu.memory_space<vmem>> -> memref<8x1024xf32, #tpu.memory_space<vmem>>
    %dma_wait3A_128 = arith.constant 0 : i32
    %dma_wait3A_129 = tpu.memref_slice %arg5[%dma_wait3A_128] : memref<1024xi32, #tpu.memory_space<vmem>> -> memref<8xi32, #tpu.memory_space<vmem>>
    %dma_wait3A_130 = arith.constant 0 : i32
    %dma_wait3A_131 = arith.constant 0 : i32
    %dma_wait3A_132 = tpu.memref_slice %arg3[%dma_wait3A_130, %dma_wait3A_131] : memref<8192x1024xf32, #tpu.memory_space<hbm>> -> memref<8192x1024xf32, #tpu.memory_space<hbm>>
    %dma_wait3A_133 = tpu.memref_slice %arg7[%dma_wait3A_123] : memref<12x!tpu.dma_semaphore, #tpu.memory_space<semaphore_mem>> -> memref<1x!tpu.dma_semaphore, #tpu.memory_space<semaphore_mem>>
    %dma_wait3A_134 = tpu.memref_squeeze %dma_wait3A_133 : memref<1x!tpu.dma_semaphore, #tpu.memory_space<semaphore_mem>> -> memref<!tpu.dma_semaphore, #tpu.memory_space<semaphore_mem>>
    tpu.wait_indirect_dma semaphore(%dma_wait3A_134 : memref<!tpu.dma_semaphore, #tpu.memory_space<semaphore_mem>>) src(%dma_wait3A_132 : memref<8192x1024xf32, #tpu.memory_space<hbm>>) dst(%dma_wait3A_127 : memref<8x1024xf32, #tpu.memory_space<vmem>>)
    %dma_wait3A_135 = arith.constant 0 : i32
    %dma_wait3A_136 = arith.constant 2 : i32
    %dma_wait3A_137 = arith.constant 16 : i32
    %dma_wait3A_138 = arith.constant 0 : i32
    %dma_wait3A_139 = tpu.memref_slice %arg6[%dma_wait3A_135, %dma_wait3A_137, %dma_wait3A_138] : memref<3x32x1024xf32, #tpu.memory_space<vmem>> -> memref<1x8x1024xf32, #tpu.memory_space<vmem>>
    %dma_wait3A_140 = tpu.memref_squeeze %dma_wait3A_139 : memref<1x8x1024xf32, #tpu.memory_space<vmem>> -> memref<8x1024xf32, #tpu.memory_space<vmem>>
    %dma_wait3A_141 = arith.constant 0 : i32
    %dma_wait3A_142 = tpu.memref_slice %arg5[%dma_wait3A_141] : memref<1024xi32, #tpu.memory_space<vmem>> -> memref<8xi32, #tpu.memory_space<vmem>>
    %dma_wait3A_143 = arith.constant 0 : i32
    %dma_wait3A_144 = arith.constant 0 : i32
    %dma_wait3A_145 = tpu.memref_slice %arg3[%dma_wait3A_143, %dma_wait3A_144] : memref<8192x1024xf32, #tpu.memory_space<hbm>> -> memref<8192x1024xf32, #tpu.memory_space<hbm>>
    %dma_wait3A_146 = tpu.memref_slice %arg7[%dma_wait3A_136] : memref<12x!tpu.dma_semaphore, #tpu.memory_space<semaphore_mem>> -> memref<1x!tpu.dma_semaphore, #tpu.memory_space<semaphore_mem>>
    %dma_wait3A_147 = tpu.memref_squeeze %dma_wait3A_146 : memref<1x!tpu.dma_semaphore, #tpu.memory_space<semaphore_mem>> -> memref<!tpu.dma_semaphore, #tpu.memory_space<semaphore_mem>>
    tpu.wait_indirect_dma semaphore(%dma_wait3A_147 : memref<!tpu.dma_semaphore, #tpu.memory_space<semaphore_mem>>) src(%dma_wait3A_145 : memref<8192x1024xf32, #tpu.memory_space<hbm>>) dst(%dma_wait3A_140 : memref<8x1024xf32, #tpu.memory_space<vmem>>)
    %dma_wait3A_148 = arith.constant 0 : i32
    %dma_wait3A_149 = arith.constant 3 : i32
    %dma_wait3A_150 = arith.constant 24 : i32
    %dma_wait3A_151 = arith.constant 0 : i32
    %dma_wait3A_152 = tpu.memref_slice %arg6[%dma_wait3A_148, %dma_wait3A_150, %dma_wait3A_151] : memref<3x32x1024xf32, #tpu.memory_space<vmem>> -> memref<1x8x1024xf32, #tpu.memory_space<vmem>>
    %dma_wait3A_153 = tpu.memref_squeeze %dma_wait3A_152 : memref<1x8x1024xf32, #tpu.memory_space<vmem>> -> memref<8x1024xf32, #tpu.memory_space<vmem>>
    %dma_wait3A_154 = arith.constant 0 : i32
    %dma_wait3A_155 = tpu.memref_slice %arg5[%dma_wait3A_154] : memref<1024xi32, #tpu.memory_space<vmem>> -> memref<8xi32, #tpu.memory_space<vmem>>
    %dma_wait3A_156 = arith.constant 0 : i32
    %dma_wait3A_157 = arith.constant 0 : i32
    %dma_wait3A_158 = tpu.memref_slice %arg3[%dma_wait3A_156, %dma_wait3A_157] : memref<8192x1024xf32, #tpu.memory_space<hbm>> -> memref<8192x1024xf32, #tpu.memory_space<hbm>>
    %dma_wait3A_159 = tpu.memref_slice %arg7[%dma_wait3A_149] : memref<12x!tpu.dma_semaphore, #tpu.memory_space<semaphore_mem>> -> memref<1x!tpu.dma_semaphore, #tpu.memory_space<semaphore_mem>>
    %dma_wait3A_160 = tpu.memref_squeeze %dma_wait3A_159 : memref<1x!tpu.dma_semaphore, #tpu.memory_space<semaphore_mem>> -> memref<!tpu.dma_semaphore, #tpu.memory_space<semaphore_mem>>
    tpu.wait_indirect_dma semaphore(%dma_wait3A_160 : memref<!tpu.dma_semaphore, #tpu.memory_space<semaphore_mem>>) src(%dma_wait3A_158 : memref<8192x1024xf32, #tpu.memory_space<hbm>>) dst(%dma_wait3A_153 : memref<8x1024xf32, #tpu.memory_space<vmem>>)
    %add3A_161 = arith.constant 960 : i32
    %add3A_162 = arith.addi %mul3A_2, %add3A_161 : i32
    %dma_start3A_163 = arith.constant 0 : i32
    %dma_start3A_164 = arith.constant 0 : i32
    %dma_start3A_165 = arith.constant 0 : i32
    %dma_start3A_166 = arith.constant 0 : i32
    %dma_start3A_167 = tpu.memref_slice %arg6[%dma_start3A_163, %dma_start3A_165, %dma_start3A_166] : memref<3x32x1024xf32, #tpu.memory_space<vmem>> -> memref<1x32x1024xf32, #tpu.memory_space<vmem>>
    %dma_start3A_168 = tpu.memref_squeeze %dma_start3A_167 : memref<1x32x1024xf32, #tpu.memory_space<vmem>> -> memref<32x1024xf32, #tpu.memory_space<vmem>>
    %dma_start3A_169 = arith.constant 0 : i32
    %dma_start3A_170 = tpu.memref_slice %arg4[%add3A_162, %dma_start3A_169] : memref<32768x1024xf32, #tpu.memory_space<hbm>> -> memref<32x1024xf32, #tpu.memory_space<hbm>>
    %dma_start3A_171 = tpu.memref_slice %arg8[%dma_start3A_164] : memref<3x!tpu.dma_semaphore, #tpu.memory_space<semaphore_mem>> -> memref<1x!tpu.dma_semaphore, #tpu.memory_space<semaphore_mem>>
    %dma_start3A_172 = tpu.memref_squeeze %dma_start3A_171 : memref<1x!tpu.dma_semaphore, #tpu.memory_space<semaphore_mem>> -> memref<!tpu.dma_semaphore, #tpu.memory_space<semaphore_mem>>
    %dma_start3A_173 = arith.constant 0 : i32
    %dma_start3A_174 = tpu.memref_slice %arg4[%add3A_162, %dma_start3A_173] : memref<32768x1024xf32, #tpu.memory_space<hbm>> -> memref<32x1024xf32, #tpu.memory_space<hbm>>
    %dma_start3A_175 = arith.constant 0 : i32
    %dma_start3A_176 = arith.constant 0 : i32
    %dma_start3A_177 = tpu.memref_slice %arg6[%dma_start3A_163, %dma_start3A_175, %dma_start3A_176] : memref<3x32x1024xf32, #tpu.memory_space<vmem>> -> memref<1x32x1024xf32, #tpu.memory_space<vmem>>
    %dma_start3A_178 = tpu.memref_squeeze %dma_start3A_177 : memref<1x32x1024xf32, #tpu.memory_space<vmem>> -> memref<32x1024xf32, #tpu.memory_space<vmem>>
    tpu.enqueue_dma source(%dma_start3A_178 : memref<32x1024xf32, #tpu.memory_space<vmem>>) target(%dma_start3A_174 : memref<32x1024xf32, #tpu.memory_space<hbm>>) target_semaphore(%dma_start3A_172 : memref<!tpu.dma_semaphore, #tpu.memory_space<semaphore_mem>>)
    %dma_wait3A_179 = arith.constant 0 : i32
    %dma_wait3A_180 = arith.constant 0 : i32
    %dma_wait3A_181 = arith.constant 0 : i32
    %dma_wait3A_182 = arith.constant 0 : i32
    %dma_wait3A_183 = tpu.memref_slice %arg6[%dma_wait3A_179, %dma_wait3A_181, %dma_wait3A_182] : memref<3x32x1024xf32, #tpu.memory_space<vmem>> -> memref<1x32x1024xf32, #tpu.memory_space<vmem>>
    %dma_wait3A_184 = tpu.memref_squeeze %dma_wait3A_183 : memref<1x32x1024xf32, #tpu.memory_space<vmem>> -> memref<32x1024xf32, #tpu.memory_space<vmem>>
    %dma_wait3A_185 = arith.constant 0 : i32
    %dma_wait3A_186 = tpu.memref_slice %arg4[%mul3A_2, %dma_wait3A_185] : memref<32768x1024xf32, #tpu.memory_space<hbm>> -> memref<32x1024xf32, #tpu.memory_space<hbm>>
    %dma_wait3A_187 = tpu.memref_slice %arg8[%dma_wait3A_180] : memref<3x!tpu.dma_semaphore, #tpu.memory_space<semaphore_mem>> -> memref<1x!tpu.dma_semaphore, #tpu.memory_space<semaphore_mem>>
    %dma_wait3A_188 = tpu.memref_squeeze %dma_wait3A_187 : memref<1x!tpu.dma_semaphore, #tpu.memory_space<semaphore_mem>> -> memref<!tpu.dma_semaphore, #tpu.memory_space<semaphore_mem>>
    %dma_wait3A_189 = arith.constant 0 : i32
    %dma_wait3A_190 = tpu.memref_slice %arg4[%mul3A_2, %dma_wait3A_189] : memref<32768x1024xf32, #tpu.memory_space<hbm>> -> memref<32x1024xf32, #tpu.memory_space<hbm>>
    %dma_wait3A_191 = arith.constant 0 : i32
    %dma_wait3A_192 = arith.constant 0 : i32
    %dma_wait3A_193 = tpu.memref_slice %arg6[%dma_wait3A_179, %dma_wait3A_191, %dma_wait3A_192] : memref<3x32x1024xf32, #tpu.memory_space<vmem>> -> memref<1x32x1024xf32, #tpu.memory_space<vmem>>
    %dma_wait3A_194 = tpu.memref_squeeze %dma_wait3A_193 : memref<1x32x1024xf32, #tpu.memory_space<vmem>> -> memref<32x1024xf32, #tpu.memory_space<vmem>>
    tpu.wait_dma2 semaphore(%dma_wait3A_188 : memref<!tpu.dma_semaphore, #tpu.memory_space<semaphore_mem>>) src(%dma_wait3A_194 : memref<32x1024xf32, #tpu.memory_space<vmem>>) dst(%dma_wait3A_190 : memref<32x1024xf32, #tpu.memory_space<hbm>>)
    %dma_wait3A_195 = arith.constant 1 : i32
    %dma_wait3A_196 = arith.constant 4 : i32
    %dma_wait3A_197 = arith.constant 0 : i32
    %dma_wait3A_198 = arith.constant 0 : i32
    %dma_wait3A_199 = tpu.memref_slice %arg6[%dma_wait3A_195, %dma_wait3A_197, %dma_wait3A_198] : memref<3x32x1024xf32, #tpu.memory_space<vmem>> -> memref<1x8x1024xf32, #tpu.memory_space<vmem>>
    %dma_wait3A_200 = tpu.memref_squeeze %dma_wait3A_199 : memref<1x8x1024xf32, #tpu.memory_space<vmem>> -> memref<8x1024xf32, #tpu.memory_space<vmem>>
    %dma_wait3A_201 = arith.constant 0 : i32
    %dma_wait3A_202 = tpu.memref_slice %arg5[%dma_wait3A_201] : memref<1024xi32, #tpu.memory_space<vmem>> -> memref<8xi32, #tpu.memory_space<vmem>>
    %dma_wait3A_203 = arith.constant 0 : i32
    %dma_wait3A_204 = arith.constant 0 : i32
    %dma_wait3A_205 = tpu.memref_slice %arg3[%dma_wait3A_203, %dma_wait3A_204] : memref<8192x1024xf32, #tpu.memory_space<hbm>> -> memref<8192x1024xf32, #tpu.memory_space<hbm>>
    %dma_wait3A_206 = tpu.memref_slice %arg7[%dma_wait3A_196] : memref<12x!tpu.dma_semaphore, #tpu.memory_space<semaphore_mem>> -> memref<1x!tpu.dma_semaphore, #tpu.memory_space<semaphore_mem>>
    %dma_wait3A_207 = tpu.memref_squeeze %dma_wait3A_206 : memref<1x!tpu.dma_semaphore, #tpu.memory_space<semaphore_mem>> -> memref<!tpu.dma_semaphore, #tpu.memory_space<semaphore_mem>>
    tpu.wait_indirect_dma semaphore(%dma_wait3A_207 : memref<!tpu.dma_semaphore, #tpu.memory_space<semaphore_mem>>) src(%dma_wait3A_205 : memref<8192x1024xf32, #tpu.memory_space<hbm>>) dst(%dma_wait3A_200 : memref<8x1024xf32, #tpu.memory_space<vmem>>)
    %dma_wait3A_208 = arith.constant 1 : i32
    %dma_wait3A_209 = arith.constant 5 : i32
    %dma_wait3A_210 = arith.constant 8 : i32
    %dma_wait3A_211 = arith.constant 0 : i32
    %dma_wait3A_212 = tpu.memref_slice %arg6[%dma_wait3A_208, %dma_wait3A_210, %dma_wait3A_211] : memref<3x32x1024xf32, #tpu.memory_space<vmem>> -> memref<1x8x1024xf32, #tpu.memory_space<vmem>>
    %dma_wait3A_213 = tpu.memref_squeeze %dma_wait3A_212 : memref<1x8x1024xf32, #tpu.memory_space<vmem>> -> memref<8x1024xf32, #tpu.memory_space<vmem>>
    %dma_wait3A_214 = arith.constant 0 : i32
    %dma_wait3A_215 = tpu.memref_slice %arg5[%dma_wait3A_214] : memref<1024xi32, #tpu.memory_space<vmem>> -> memref<8xi32, #tpu.memory_space<vmem>>
    %dma_wait3A_216 = arith.constant 0 : i32
    %dma_wait3A_217 = arith.constant 0 : i32
    %dma_wait3A_218 = tpu.memref_slice %arg3[%dma_wait3A_216, %dma_wait3A_217] : memref<8192x1024xf32, #tpu.memory_space<hbm>> -> memref<8192x1024xf32, #tpu.memory_space<hbm>>
    %dma_wait3A_219 = tpu.memref_slice %arg7[%dma_wait3A_209] : memref<12x!tpu.dma_semaphore, #tpu.memory_space<semaphore_mem>> -> memref<1x!tpu.dma_semaphore, #tpu.memory_space<semaphore_mem>>
    %dma_wait3A_220 = tpu.memref_squeeze %dma_wait3A_219 : memref<1x!tpu.dma_semaphore, #tpu.memory_space<semaphore_mem>> -> memref<!tpu.dma_semaphore, #tpu.memory_space<semaphore_mem>>
    tpu.wait_indirect_dma semaphore(%dma_wait3A_220 : memref<!tpu.dma_semaphore, #tpu.memory_space<semaphore_mem>>) src(%dma_wait3A_218 : memref<8192x1024xf32, #tpu.memory_space<hbm>>) dst(%dma_wait3A_213 : memref<8x1024xf32, #tpu.memory_space<vmem>>)
    %dma_wait3A_221 = arith.constant 1 : i32
    %dma_wait3A_222 = arith.constant 6 : i32
    %dma_wait3A_223 = arith.constant 16 : i32
    %dma_wait3A_224 = arith.constant 0 : i32
    %dma_wait3A_225 = tpu.memref_slice %arg6[%dma_wait3A_221, %dma_wait3A_223, %dma_wait3A_224] : memref<3x32x1024xf32, #tpu.memory_space<vmem>> -> memref<1x8x1024xf32, #tpu.memory_space<vmem>>
    %dma_wait3A_226 = tpu.memref_squeeze %dma_wait3A_225 : memref<1x8x1024xf32, #tpu.memory_space<vmem>> -> memref<8x1024xf32, #tpu.memory_space<vmem>>
    %dma_wait3A_227 = arith.constant 0 : i32
    %dma_wait3A_228 = tpu.memref_slice %arg5[%dma_wait3A_227] : memref<1024xi32, #tpu.memory_space<vmem>> -> memref<8xi32, #tpu.memory_space<vmem>>
    %dma_wait3A_229 = arith.constant 0 : i32
    %dma_wait3A_230 = arith.constant 0 : i32
    %dma_wait3A_231 = tpu.memref_slice %arg3[%dma_wait3A_229, %dma_wait3A_230] : memref<8192x1024xf32, #tpu.memory_space<hbm>> -> memref<8192x1024xf32, #tpu.memory_space<hbm>>
    %dma_wait3A_232 = tpu.memref_slice %arg7[%dma_wait3A_222] : memref<12x!tpu.dma_semaphore, #tpu.memory_space<semaphore_mem>> -> memref<1x!tpu.dma_semaphore, #tpu.memory_space<semaphore_mem>>
    %dma_wait3A_233 = tpu.memref_squeeze %dma_wait3A_232 : memref<1x!tpu.dma_semaphore, #tpu.memory_space<semaphore_mem>> -> memref<!tpu.dma_semaphore, #tpu.memory_space<semaphore_mem>>
    tpu.wait_indirect_dma semaphore(%dma_wait3A_233 : memref<!tpu.dma_semaphore, #tpu.memory_space<semaphore_mem>>) src(%dma_wait3A_231 : memref<8192x1024xf32, #tpu.memory_space<hbm>>) dst(%dma_wait3A_226 : memref<8x1024xf32, #tpu.memory_space<vmem>>)
    %dma_wait3A_234 = arith.constant 1 : i32
    %dma_wait3A_235 = arith.constant 7 : i32
    %dma_wait3A_236 = arith.constant 24 : i32
    %dma_wait3A_237 = arith.constant 0 : i32
    %dma_wait3A_238 = tpu.memref_slice %arg6[%dma_wait3A_234, %dma_wait3A_236, %dma_wait3A_237] : memref<3x32x1024xf32, #tpu.memory_space<vmem>> -> memref<1x8x1024xf32, #tpu.memory_space<vmem>>
    %dma_wait3A_239 = tpu.memref_squeeze %dma_wait3A_238 : memref<1x8x1024xf32, #tpu.memory_space<vmem>> -> memref<8x1024xf32, #tpu.memory_space<vmem>>
    %dma_wait3A_240 = arith.constant 0 : i32
    %dma_wait3A_241 = tpu.memref_slice %arg5[%dma_wait3A_240] : memref<1024xi32, #tpu.memory_space<vmem>> -> memref<8xi32, #tpu.memory_space<vmem>>
    %dma_wait3A_242 = arith.constant 0 : i32
    %dma_wait3A_243 = arith.constant 0 : i32
    %dma_wait3A_244 = tpu.memref_slice %arg3[%dma_wait3A_242, %dma_wait3A_243] : memref<8192x1024xf32, #tpu.memory_space<hbm>> -> memref<8192x1024xf32, #tpu.memory_space<hbm>>
    %dma_wait3A_245 = tpu.memref_slice %arg7[%dma_wait3A_235] : memref<12x!tpu.dma_semaphore, #tpu.memory_space<semaphore_mem>> -> memref<1x!tpu.dma_semaphore, #tpu.memory_space<semaphore_mem>>
    %dma_wait3A_246 = tpu.memref_squeeze %dma_wait3A_245 : memref<1x!tpu.dma_semaphore, #tpu.memory_space<semaphore_mem>> -> memref<!tpu.dma_semaphore, #tpu.memory_space<semaphore_mem>>
    tpu.wait_indirect_dma semaphore(%dma_wait3A_246 : memref<!tpu.dma_semaphore, #tpu.memory_space<semaphore_mem>>) src(%dma_wait3A_244 : memref<8192x1024xf32, #tpu.memory_space<hbm>>) dst(%dma_wait3A_239 : memref<8x1024xf32, #tpu.memory_space<vmem>>)
    %add3A_247 = arith.constant 992 : i32
    %add3A_248 = arith.addi %mul3A_2, %add3A_247 : i32
    %dma_start3A_249 = arith.constant 1 : i32
    %dma_start3A_250 = arith.constant 1 : i32
    %dma_start3A_251 = arith.constant 0 : i32
    %dma_start3A_252 = arith.constant 0 : i32
    %dma_start3A_253 = tpu.memref_slice %arg6[%dma_start3A_249, %dma_start3A_251, %dma_start3A_252] : memref<3x32x1024xf32, #tpu.memory_space<vmem>> -> memref<1x32x1024xf32, #tpu.memory_space<vmem>>
    %dma_start3A_254 = tpu.memref_squeeze %dma_start3A_253 : memref<1x32x1024xf32, #tpu.memory_space<vmem>> -> memref<32x1024xf32, #tpu.memory_space<vmem>>
    %dma_start3A_255 = arith.constant 0 : i32
    %dma_start3A_256 = tpu.memref_slice %arg4[%add3A_248, %dma_start3A_255] : memref<32768x1024xf32, #tpu.memory_space<hbm>> -> memref<32x1024xf32, #tpu.memory_space<hbm>>
    %dma_start3A_257 = tpu.memref_slice %arg8[%dma_start3A_250] : memref<3x!tpu.dma_semaphore, #tpu.memory_space<semaphore_mem>> -> memref<1x!tpu.dma_semaphore, #tpu.memory_space<semaphore_mem>>
    %dma_start3A_258 = tpu.memref_squeeze %dma_start3A_257 : memref<1x!tpu.dma_semaphore, #tpu.memory_space<semaphore_mem>> -> memref<!tpu.dma_semaphore, #tpu.memory_space<semaphore_mem>>
    %dma_start3A_259 = arith.constant 0 : i32
    %dma_start3A_260 = tpu.memref_slice %arg4[%add3A_248, %dma_start3A_259] : memref<32768x1024xf32, #tpu.memory_space<hbm>> -> memref<32x1024xf32, #tpu.memory_space<hbm>>
    %dma_start3A_261 = arith.constant 0 : i32
    %dma_start3A_262 = arith.constant 0 : i32
    %dma_start3A_263 = tpu.memref_slice %arg6[%dma_start3A_249, %dma_start3A_261, %dma_start3A_262] : memref<3x32x1024xf32, #tpu.memory_space<vmem>> -> memref<1x32x1024xf32, #tpu.memory_space<vmem>>
    %dma_start3A_264 = tpu.memref_squeeze %dma_start3A_263 : memref<1x32x1024xf32, #tpu.memory_space<vmem>> -> memref<32x1024xf32, #tpu.memory_space<vmem>>
    tpu.enqueue_dma source(%dma_start3A_264 : memref<32x1024xf32, #tpu.memory_space<vmem>>) target(%dma_start3A_260 : memref<32x1024xf32, #tpu.memory_space<hbm>>) target_semaphore(%dma_start3A_258 : memref<!tpu.dma_semaphore, #tpu.memory_space<semaphore_mem>>)
    %dma_wait3A_265 = arith.constant 1 : i32
    %dma_wait3A_266 = arith.constant 1 : i32
    %dma_wait3A_267 = arith.constant 0 : i32
    %dma_wait3A_268 = arith.constant 0 : i32
    %dma_wait3A_269 = tpu.memref_slice %arg6[%dma_wait3A_265, %dma_wait3A_267, %dma_wait3A_268] : memref<3x32x1024xf32, #tpu.memory_space<vmem>> -> memref<1x32x1024xf32, #tpu.memory_space<vmem>>
    %dma_wait3A_270 = tpu.memref_squeeze %dma_wait3A_269 : memref<1x32x1024xf32, #tpu.memory_space<vmem>> -> memref<32x1024xf32, #tpu.memory_space<vmem>>
    %dma_wait3A_271 = arith.constant 0 : i32
    %dma_wait3A_272 = tpu.memref_slice %arg4[%mul3A_2, %dma_wait3A_271] : memref<32768x1024xf32, #tpu.memory_space<hbm>> -> memref<32x1024xf32, #tpu.memory_space<hbm>>
    %dma_wait3A_273 = tpu.memref_slice %arg8[%dma_wait3A_266] : memref<3x!tpu.dma_semaphore, #tpu.memory_space<semaphore_mem>> -> memref<1x!tpu.dma_semaphore, #tpu.memory_space<semaphore_mem>>
    %dma_wait3A_274 = tpu.memref_squeeze %dma_wait3A_273 : memref<1x!tpu.dma_semaphore, #tpu.memory_space<semaphore_mem>> -> memref<!tpu.dma_semaphore, #tpu.memory_space<semaphore_mem>>
    %dma_wait3A_275 = arith.constant 0 : i32
    %dma_wait3A_276 = tpu.memref_slice %arg4[%mul3A_2, %dma_wait3A_275] : memref<32768x1024xf32, #tpu.memory_space<hbm>> -> memref<32x1024xf32, #tpu.memory_space<hbm>>
    %dma_wait3A_277 = arith.constant 0 : i32
    %dma_wait3A_278 = arith.constant 0 : i32
    %dma_wait3A_279 = tpu.memref_slice %arg6[%dma_wait3A_265, %dma_wait3A_277, %dma_wait3A_278] : memref<3x32x1024xf32, #tpu.memory_space<vmem>> -> memref<1x32x1024xf32, #tpu.memory_space<vmem>>
    %dma_wait3A_280 = tpu.memref_squeeze %dma_wait3A_279 : memref<1x32x1024xf32, #tpu.memory_space<vmem>> -> memref<32x1024xf32, #tpu.memory_space<vmem>>
    tpu.wait_dma2 semaphore(%dma_wait3A_274 : memref<!tpu.dma_semaphore, #tpu.memory_space<semaphore_mem>>) src(%dma_wait3A_280 : memref<32x1024xf32, #tpu.memory_space<vmem>>) dst(%dma_wait3A_276 : memref<32x1024xf32, #tpu.memory_space<hbm>>)
    return
  }
}

</mosaic_0001>

<sc_bundles>
// kernel: kernel.3.cloned.1.call-start
scs
__scs_entry_jumppad:
0x0: {  	(pc) =	sbr.rel $0x88, $3  }
0x1: {  	(tag) =	ssettag $0x0;
	lr =	simm.s32 $0x1  }
0x2: {  	[smem:$0x3F9F] =	sst lr;
	_ =	strace $0xD0000000  }
0x3: {  	_ = 	snop  }
0x4: {  	_ = 	snop  }
0x5: {  	_ = 	snop  }
0x6: {  	_ = 	snop  }
0x7: {  	_ = 	snop  }
__scs_overlays_trampoline_lowered:
0x8: {  	[smem:$0x3FAE] =	sst s0  }
0x9: {  	[smem:$0x3FAF] =	sst s1  }
0xa: {  	[smem:$0x3FB0] =	sst s2  }
0xb: {  	[smem:$0x3FB1] =	sst s3  }
0xc: {  	[smem:$0x3FB2] =	sst s4  }
0xd: {  	[smem:$0x3FB3] =	sst s5  }
0xe: {  	[smem:$0x3FB4] =	sst s6  }
0xf: {  	[smem:$0x3FB5] =	sst s7  }
0x10: {  	[smem:$0x3FB6] =	sst s8  }
0x11: {  	[smem:$0x3FB7] =	sst s9;
	s0 =	simm.s32 @!p0 $0x0  }
0x12: {  	s1 =	sld [smem:$0x3F9D];
	s0 =	simm.s32 @p0 $0x1  }
0x13: {  	[smem:$0x3FB8] =	sst s0;
	s0 =	simm.s32 @!p1 $0x0  }
0x14: {  	s2 =	sld [smem:$0x3F9C];
	s0 =	simm.s32 @p1 $0x1  }
0x15: {  	[smem:$0x3FB9] =	sst s0;
	s0 =	simm.s32 @!p2 $0x0  }
0x16: {  	s3 =	sld [smem:$0x3FDB];
	s0 =	simm.s32 @p2 $0x1  }
0x17: {  	s4 =	simm.s32 $0x1BF5;
	[smem:$0x3FBB] =	sst s0  }
0x18: {  	s0 =	sld [smem:$0x3F9E];
	_ =	swait.ge [sflag:s4], $0x0  }
0x19: {  	s7 =	sld [smem:$0x3F9F]  }
0x1a: {  	s8 =	sadd.s32 $0xFFFFE003, lr  }
0x1b: {  	s9 =	sadd.s32 $0xFFFFFEF7, lr;
	s5 =	simm.s32 $0xFFFFFFFF;
	p2 =	slt.u32 s8, $0xFFFFF086  }
0x1c: {  	p1 =	slt.u32 s9, $0xF7A;
	s5 =	simm.s32 @!p2 $0x0  }
0x1d: {  	s5 =	simm.s32 @p1 $0x1;
	p0 =	seq.s32 s7, s2  }
0x1e: {  	s7 =	smul.u32 @!p0 $0xF7A, s2;
	p2 =	seq.s32 @!p0 s5, $0x0  }
0x1f: {  	s9 =	smul.u32 $0xF7A, s1;
	s8 =	simm.s32 @!p0 $0x1BF5;
	p2 =	por !p2, p0  }
0x20: {  	[sflag:s8] =	ssyncset.s32 @!p0 $0xFFFFF086;
	s6 =	sadd.s32 @!p0 s3, s7;
	s7 =	simm.s32 @!p0 $0x108  }
0x21: {  	s3 =	sadd.s32 s3, s9;
	s6 =	sadd.s32 @!p0 $0x88, s6;
	s7 =	simm.s32 @p2 $0x1082  }
0x22: {  	[simem:s7], [sflag:s8] =	dma.local @!p0 [hbm:s6], $0xF7A  }
0x23: {  	s9 =	sor.u32 $0xD0000000, s2;
	s6 =	simm.s32 $0x108;
	_ =	swait.ge @!p0 [sflag:s8], $0x0  }
0x24: {  	s3 =	sadd.s32 $0x88, s3;
	s6 =	simm.s32 @!p1 $0x1082;
	[sflag:s4] =	ssyncset.s32 $0xFFFFF086  }
0x25: {  	[simem:s6], [sflag:s4] =	dma.local [hbm:s3], $0xF7A  }
0x26: {  	[smem:$0x3F9F] =	sst s1;
	(tag) =	ssettag s2;
	_ =	strace s9  }
0x27: {  	s1 =	sld [smem:$0x3FAF]  }
0x28: {  	s2 =	sld [smem:$0x3FB0]  }
0x29: {  	s4 =	sld [smem:$0x3FB2]  }
0x2a: {  	p0 =	seq.s32 s5, $0x0;
	s5 =	sld [smem:$0x3FB3]  }
0x2b: {  	s6 =	sld [smem:$0x3FB4]  }
0x2c: {  	s7 =	sld [smem:$0x3FB5]  }
0x2d: {  	s3 =	simm.s32 $0x108;
	s8 =	sld [smem:$0x3FB6]  }
0x2e: {  	s3 =	simm.s32 @!p0 $0x1082;
	s9 =	sld [smem:$0x3FB7]  }
0x2f: {  	lr =	sadd.s32 s0, s3;
	s0 =	sld [smem:$0x3FAE]  }
0x30: {  	s3 =	sld [smem:$0x3FB1]  }
0x31: {  	[smem:$0x3FBA] =	sst s10  }
0x32: {  	s10 =	sld [smem:$0x3FB8];
	_ =	sdelay $0x3  }
0x33: {  	p0 =	seq.s32 s10, $0x1;
	s10 =	sld [smem:$0x3FBA];
	_ =	sdelay $0x3  }
0x34: {  	[smem:$0x3FBA] =	sst s10  }
0x35: {  	s10 =	sld [smem:$0x3FB9];
	_ =	sdelay $0x3  }
0x36: {  	p1 =	seq.s32 s10, $0x1;
	s10 =	sld [smem:$0x3FBA];
	_ =	sdelay $0x3  }
0x37: {  	[smem:$0x3FBA] =	sst s10  }
0x38: {  	s10 =	sld [smem:$0x3FBB]  }
0x39: {  	_ = 	snop;
	(pc) =	sbr.ind lr, $3  }
0x3a: {  	_ = 	snop  }
0x3b: {  	_ = 	snop  }
0x3c: {  	p2 =	seq.s32 s10, $0x1;
	s10 =	sld [smem:$0x3FBA]  }
0x3d: {  	_ =	shalt  }
0x3e: {  	_ =	shalt  }
0x3f: {  	_ =	shalt  }
0x40: {  	_ =	shalt  }
0x41: {  	_ =	shalt  }
0x42: {  	_ =	shalt  }
0x43: {  	_ =	shalt  }
0x44: {  	_ =	shalt  }
0x45: {  	_ =	shalt  }
0x46: {  	_ =	shalt  }
0x47: {  	_ =	shalt  }
0x48: {  	_ =	shalt  }
0x49: {  	_ =	shalt  }
0x4a: {  	_ =	shalt  }
0x4b: {  	_ =	shalt  }
0x4c: {  	_ =	shalt  }
0x4d: {  	_ =	shalt  }
0x4e: {  	_ =	shalt  }
0x4f: {  	_ =	shalt  }
0x50: {  	_ =	shalt  }
0x51: {  	_ =	shalt  }
0x52: {  	_ =	shalt  }
0x53: {  	_ =	shalt  }
0x54: {  	_ =	shalt  }
0x55: {  	_ =	shalt  }
0x56: {  	_ =	shalt  }
0x57: {  	_ =	shalt  }
0x58: {  	_ =	shalt  }
0x59: {  	_ =	shalt  }
0x5a: {  	_ =	shalt  }
0x5b: {  	_ =	shalt  }
0x5c: {  	_ =	shalt  }
0x5d: {  	_ =	shalt  }
0x5e: {  	_ =	shalt  }
0x5f: {  	_ =	shalt  }
0x60: {  	_ =	shalt  }
0x61: {  	_ =	shalt  }
0x62: {  	_ =	shalt  }
0x63: {  	_ =	shalt  }
0x64: {  	_ =	shalt  }
0x65: {  	_ =	shalt  }
0x66: {  	_ =	shalt  }
0x67: {  	_ =	shalt  }
0x68: {  	_ =	shalt  }
0x69: {  	_ =	shalt  }
0x6a: {  	_ =	shalt  }
0x6b: {  	_ =	shalt  }
0x6c: {  	_ =	shalt  }
0x6d: {  	_ =	shalt  }
0x6e: {  	_ =	shalt  }
0x6f: {  	_ =	shalt  }
0x70: {  	_ =	shalt  }
0x71: {  	_ =	shalt  }
0x72: {  	_ =	shalt  }
0x73: {  	_ =	shalt  }
0x74: {  	_ =	shalt  }
0x75: {  	_ =	shalt  }
0x76: {  	_ =	shalt  }
0x77: {  	_ =	shalt  }
0x78: {  	_ =	shalt  }
0x79: {  	_ =	shalt  }
0x7a: {  	_ =	shalt  }
0x7b: {  	_ =	shalt  }
0x7c: {  	_ =	shalt  }
0x7d: {  	_ =	shalt  }
0x7e: {  	_ =	shalt  }
0x7f: {  	_ =	shalt  }
0x80: {  	_ =	shalt  }
0x81: {  	_ =	shalt  }
0x82: {  	_ =	shalt  }
0x83: {  	_ =	shalt  }
0x84: {  	_ =	shalt  }
0x85: {  	_ =	shalt  }
0x86: {  	_ =	shalt  }
0x87: {  	_ =	shalt  }
.Lfunc_end0:
.L_simem_size_0:
called_computation_lowered:
.L_overlay_start_0:
0x88: {  	s2 =	sld [smem:$0x3FD9]  }
0x89: {  	s3 =	sld [smem:$0x3FFE];
	_ =	sdelay $0x1  }
0x8a: {  	s1 =	srdreg.scid  }
0x8b: {  	s0 =	sand.u32 $0x1, s1  }
0x8c: {  	s17 =	sshll.u32 s0, $0xA;
	s2 =	sadd.s32 s3, s2  }
0x8d: {  	s2 =	sadd.s32 s2, s17  }
0x8e: {  	[smem:$0x3FC6] =	sst s2  }
0x8f: {  	_ = 	snop  }
0x90: {  	s2 =	sld [smem:$0x3FC8]  }
0x91: {  	s18 =	sld [smem:$0x3FD0];
	(tm) =	ssettm $0x1  }
0x92: {  	s4 =	sld [smem:$0x3FFB];
	_ =	sdelay $0x3  }
0x93: {  	_ =	strace s4  }
0x94: {  	s4 =	sld [smem:$0x3FFC];
	_ =	sdelay $0x3  }
0x95: {  	_ =	strace s4  }
0x96: {  	s4 =	sld [smem:$0x3FFD];
	_ =	sdelay $0x3  }
0x97: {  	_ =	strace s4  }
0x98: {  	_ =	strace $0x8FFFFFFF  }
0x99: {  	s19 =	sld [smem:$0x3FDB];
	_ =	sdelay $0x1  }
0x9a: {  	s5 =	simm.s32 $_scs_section_size  }
0x9b: {  	s6 =	simm.s32 $_size__tile_overlayer_lowered;
	s7 =	simm.s32 $_tile_overlayer_lowered  }
0x9c: {  	s22 =	simm.s32 $0x1BFF;
	s21 =	sshll.u32 s7, $0x1;
	s4 =	sadd.s32 s5, s19  }
0x9d: {  	s8 =	simm.s32 $0x0;
	s20 =	sshll.u32 s6, $0x1;
	s6 =	sadd.s32 s21, s4  }
0x9e: {  	[timem:s8], [sflag:s22] =	dma.local [hbm:s6], s20  }
0x9f: {  	_ =	swait.ge [sflag:s22], s20  }
0xa0: {  	s5 =	ssub.s32 $0x0, s20;
	[sflag:s22] =	ssyncset.done $0x0  }
0xa1: {  	[sflag:s22] =	ssyncadd.s32 s5;
	_ =	sdelay $0x1  }
0xa2: {  	s23 =	simm.s32 $0x1B8B  }
0xa3: {  	_ =	swait.ge [sflag:s23], $0x1  }
0xa4: {  	[sflag:s23] =	ssyncset.done $0x0  }
0xa5: {  	s25 =	simm.s32 $0x1B8E;
	s24 =	sld [smem:$0x3FFE];
	[sflag:s23] =	ssyncadd.s32 $0xFFFFFFFF  }
0xa6: {  	s26 =	simm.s32 $execute0_lowered;
	[smem:$0x3FD2] =	sst s25  }
0xa7: {  	s6 =	sshll.u32 s26, $0x1;
	_ =	strace $0x80000046;
	[dreg:$0x1] =	wrdreg $0xFFFFFFFF  }
0xa8: {  	s28 =	simm.s32 $_size_execute0_lowered;
	s4 =	sadd.s32 s4, s6;
	[dreg:$0x0] =	wrdreg $0x0  }
0xa9: {  	s6 =	sshll.u32 s28, $0x1;
	[dreg:$0x2] =	wrdreg s4  }
0xaa: {  	[dreg:$0x3] =	wrdreg s6  }
0xab: {  	[dreg:$0x4] =	wrdreg $0xC0  }
0xac: {  	_ =	task [dreg:s8], $0x5FFFF  }
0xad: {  	[dreg:$0x1] =	wrdreg $0xFFFFFFFF  }
0xae: {  	[dreg:$0x0] =	wrdreg $0x60  }
0xaf: {  	[dreg:$0x2] =	wrdreg s24  }
0xb0: {  	[dreg:$0x3] =	wrdreg s2  }
0xb1: {  	[dreg:$0x4] =	wrdreg s18  }
0xb2: {  	[dreg:$0x5] =	wrdreg $0x9  }
0xb3: {  	_ =	task.clear_ibuf [dreg:s8], $0x6FFFF;
	_ =	strace $0x90000046  }
0xb4: {  	s29 =	simm.s32 $0x9;
	_ =	strace $0x80000048  }
0xb5: {  	_ =	swait.ge [sflag:s29], $0x1  }
0xb6: {  	[sflag:s29] =	ssyncadd.s32 $0xFFFFFFFF  }
0xb7: {  	_ =	strace $0x90000048  }
0xb8: {  	_ =	sfence  }
0xb9: {  	s30 =	sld [smem:$0x0];
	_ =	sdelay $0x2  }
0xba: {  	s31 =	sshll.u32 s1, $0xD;
	s1 =	sshrl.u32 s1, $0x2  }
0xbb: {  	s3 =	sand.u32 $0x4000, s31;
	s1 =	sadd.s32 s1, s30  }
0xbc: {  	s0 =	sor.u32 s3, s0;
	s1 =	sshll.u32 s1, $0x11  }
0xbd: {  	s0 =	sor.u32 s1, s0  }
0xbe: {  	s0 =	sadd.s32 $0x8F2B, s0  }
0xbf: {  	[sflag:s0] =	ssyncadd.remote.s32 $0x1  }
0xc0: {  	_ =	sfence.sel $0xFFFF  }
0xc1: {  	[dreg:$0x0] =	wrdreg $0xFFFFFFFF;
	(pc) =	sbr.abs _section_cstart, $3  }
0xc2: {  	[dreg:$0x1] =	wrdreg $0xFFFFFFFF  }
0xc3: {  	_ =	task.clear_ibuf [dreg:s8], $0x2FFFF;
	_ =	strace $0x9FFFFFFF  }
0xc4: {  	(tm) =	ssettm $0x7FFFFFFF  }
0xc5: {  	_ =	shalt  }
tec
execute0_lowered:
.L_overlay_start_1:
0x0: {  	(tag) =	ssettag $0x1  }
0x1: {  	s0 =	rddreg [dreg:$0x0]  }
0x2: {  	s1 =	srdreg.scid;
	s2 =	rddreg [dreg:$0x1]  }
0x3: {  	s9 =	stileid.u32;
	s4 =	rddreg [dreg:$0x2]  }
0x4: {  	s10 =	simm.s32 $0x10C00;
	s12 =	simm.s32 $0x11400;
	s14 =	simm.s32 $0x11C00  }
0x5: {  	s15 =	simm.s32 $0x12400;
	s16 =	simm.s32 $0x12C00;
	s17 =	simm.s32 $0x13400  }
0x6: {  	s18 =	simm.s32 $0x13C00;
	s19 =	simm.s32 $0x14400;
	s1 =	sand.u32 $0x1, s1  }
0x7: {  	s20 =	simm.s32 $0x14C00;
	s3 =	sshll.u32 s9, $0xB;
	s5 =	sshll.u32 s1, $0xA  }
0x8: {  	s21 =	simm.s32 $0x15400;
	s7 =	sor.u32 s5, s3;
	s3 =	simm.s32 $0x0  }
0x9: {  	s22 =	simm.s32 $0x15C00;
	s23 =	simm.s32 $0x16400;
	[smem:$0x7FF] =	sst s3  }
0xa: {  	s29 =	simm.s32 $0x8400;
	_ =	strace $0x80000047;
	[dreg:$0x5] =	wrdreg s10  }
0xb: {  	s28 =	simm.s32 $0x7;
	s30 =	simm.s32 $0x8;
	[dreg:$0x6] =	wrdreg s12  }
0xc: {  	s31 =	simm.s32 $0xE;
	s25 =	sshll.u32 s9, $0x12;
	[dreg:$0x7] =	wrdreg s14  }
0xd: {  	s6 =	ssub.s32 $0x2, s1;
	s1 =	sshll.u32 s1, $0x11;
	[dreg:$0x8] =	wrdreg s15  }
0xe: {  	s24 =	sshrl.u32 s6, $0x1;
	s5 =	sshrl.u32 s7, $0x3;
	[dreg:$0x9] =	wrdreg s16  }
0xf: {  	s8 =	ssub.s32 s6, s24;
	s6 =	sadd.s32 $0x200, s2;
	[dreg:$0xa] =	wrdreg s17  }
0x10: {  	s26 =	sshll.u32 s7, $0x7;
	s7 =	sadd.s32 $0x300, s2;
	[dreg:$0xb] =	wrdreg s18  }
0x11: {  	s24 =	simm.s32 $0x16C00;
	s0 =	sadd.s32 s5, s0;
	[dreg:$0xc] =	wrdreg s19  }
0x12: {  	s5 =	sadd.s32 $0x100, s2;
	s13 =	smax.u32 s8, $0x1;
	[dreg:$0xd] =	wrdreg s20  }
0x13: {  	s12 =	simm.s32 $0x400;
	s14 =	simm.s32 $0x1C00;
	[dreg:$0xe] =	wrdreg s21  }
0x14: {  	s15 =	simm.s32 $0x2400;
	s16 =	simm.s32 $0x2C00;
	[dreg:$0xf] =	wrdreg s22  }
0x15: {  	s17 =	simm.s32 $0x3400;
	s18 =	simm.s32 $0x3C00;
	[dreg:$0x10] =	wrdreg s23  }
0x16: {  	[dreg:$0x11] =	wrdreg s24;
	s19 =	simm.s32 $0x10400;
	s20 =	simm.s32 $0x1  }
0x17: {  	s21 =	simm.s32 $0x2;
	s22 =	simm.s32 $0x3;
	s23 =	simm.s32 $0x4  }
0x18: {  	s24 =	simm.s32 $0xD;
	s10 =	simm.s32 $0x0;
	[dreg:$0x17] =	wrdreg s13  }
0x19: {  	s8 =	simm.s32 $0xC;
	s0 =	sadd.s32 $0x400, s0;
	[dreg:$0x18] =	wrdreg s10  }
0x1a: {  	[dreg:$0x14] =	wrdreg s0;
	s0 =	sadd.s32 s25, s4;
	s25 =	simm.s32 $0x17400  }
0x1b: {  	s4 =	sadd.s32 s26, s4;
	s26 =	simm.s32 $0x17C00;
	[dreg:$0x12] =	wrdreg s25  }
0x1c: {  	s13 =	simm.s32 $0x1400;
	s9 =	sadd.s32 $0x1E000, s4;
	[dreg:$0x13] =	wrdreg s26  }
0x1d: {  	s0 =	sadd.s32 s1, s0;
	s11 =	sadd.s32 $0x1F000, s4;
	[dreg:$0x15] =	wrdreg s9  }
0x1e: {  	v0 =	vlaneseq.u32;
	s25 =	simm.s32 $0x5;
	s26 =	simm.s32 $0x6;
	[dreg:$0x4] =	wrdreg s0  }
0x1f: {  	v1 =	vshrl.u32 v0, $0x3;
	s1 =	simm.s32 $0x9;
	s4 =	simm.s32 $0xB;
	[dreg:$0x16] =	wrdreg s11  }
0x20: {  	vm0 =	vmmov $0xffff;
	v0 =	vand.u32 $0x7, v0;
	v1 =	vmul.u32 $0x8, v1;
	s11 =	simm.s32 $0xC00;
	s0 =	simm.s32 $0xA;
	s9 =	simm.s32 $0xF  }
.LBB2_1:
0x21: {  	s10 =	rddreg [dreg:$0x14]  }
0x22: {  	[tilespmem:s3], [sflag:$0x10] =	stream.linear.gather [hbm4b:s10+s3], $0x400, $0x38;
	[tilespmem:$0x18400] =	vst v63  }
0x23: {  	s10 =	simm.s32 $0x10  }
0x24: {  	_ =	swait.ge [sflag:s10], $0x400  }
0x25: {  	[sflag:s10] =	ssyncset.done $0x0  }
0x26: {  	[sflag:s10] =	ssyncadd.s32 $0xFFFFFC00  }
0x27: {  	v2 =	vld.msk [tilespmem:$0x0], $0xff;
	_ =	sdelay $0x4  }
0x28: {  	v3 =	vshll.u32 v2, $0x3  }
0x29: {  	v2 =	vand.u32 $0x7, v2;
	v3 =	vand.u32 $0xFFFFFFC0, v3  }
0x2a: {  	v2 =	vor.u32 v2, v3  }
0x2b: {  	v2 =	vperm.xlane v2, v0;
	_ =	sdelay $0x1  }
0x2c: {  	v2 =	vadd.s32 v1, v2;
	_ =	sdelay $0x4  }
0x2d: {  	[tilespmem:s12], [sflag:$0x1] =	stream.indirect_vreg.gather [hbm4b:s2+s3], $0x80, v2, vm0, $0xb8;
	[tilespmem:$0x18400] =	vst v63  }
0x2e: {  	_ = 	snop  }
0x2f: {  	[tilespmem:s11], [sflag:$0x1] =	stream.indirect_vreg.gather [hbm4b:s5+s3], $0x80, v2, vm0, $0xb8;
	[tilespmem:$0x18400] =	vst v63  }
0x30: {  	_ = 	snop  }
0x31: {  	[tilespmem:s13], [sflag:$0x1] =	stream.indirect_vreg.gather [hbm4b:s6+s3], $0x80, v2, vm0, $0xb8;
	[tilespmem:$0x18400] =	vst v63  }
0x32: {  	_ = 	snop  }
0x33: {  	[tilespmem:s14], [sflag:$0x1] =	stream.indirect_vreg.gather [hbm4b:s7+s3], $0x80, v2, vm0, $0xb8;
	[tilespmem:$0x18400] =	vst v63  }
0x34: {  	v2 =	vld.msk [tilespmem:$0x8], $0xff;
	_ =	sdelay $0x4  }
0x35: {  	v3 =	vshll.u32 v2, $0x3  }
0x36: {  	v2 =	vand.u32 $0x7, v2;
	v3 =	vand.u32 $0xFFFFFFC0, v3  }
0x37: {  	v2 =	vor.u32 v2, v3  }
0x38: {  	v2 =	vperm.xlane v2, v0;
	_ =	sdelay $0x1  }
0x39: {  	v2 =	vadd.s32 v1, v2;
	_ =	sdelay $0x4  }
0x3a: {  	[tilespmem:s15], [sflag:$0x2] =	stream.indirect_vreg.gather [hbm4b:s2+s3], $0x80, v2, vm0, $0xb8;
	[tilespmem:$0x18400] =	vst v63  }
0x3b: {  	_ = 	snop  }
0x3c: {  	[tilespmem:s16], [sflag:$0x2] =	stream.indirect_vreg.gather [hbm4b:s5+s3], $0x80, v2, vm0, $0xb8;
	[tilespmem:$0x18400] =	vst v63  }
0x3d: {  	_ = 	snop  }
0x3e: {  	[tilespmem:s17], [sflag:$0x2] =	stream.indirect_vreg.gather [hbm4b:s6+s3], $0x80, v2, vm0, $0xb8;
	[tilespmem:$0x18400] =	vst v63  }
0x3f: {  	_ = 	snop  }
0x40: {  	[tilespmem:s18], [sflag:$0x2] =	stream.indirect_vreg.gather [hbm4b:s7+s3], $0x80, v2, vm0, $0xb8;
	[tilespmem:$0x18400] =	vst v63  }
0x41: {  	v2 =	vld.msk [tilespmem:$0x10], $0xff;
	_ =	sdelay $0x4  }
0x42: {  	v3 =	vshll.u32 v2, $0x3  }
0x43: {  	v2 =	vand.u32 $0x7, v2;
	v3 =	vand.u32 $0xFFFFFFC0, v3  }
0x44: {  	v2 =	vor.u32 v2, v3  }
0x45: {  	v2 =	vperm.xlane v2, v0;
	_ =	sdelay $0x1  }
0x46: {  	v2 =	vadd.s32 v1, v2;
	_ =	sdelay $0x3  }
0x47: {  	s14 =	simm.s32 $0x4400  }
0x48: {  	[tilespmem:s14], [sflag:$0x3] =	stream.indirect_vreg.gather [hbm4b:s2+s3], $0x80, v2, vm0, $0xb8;
	[tilespmem:$0x18400] =	vst v63  }
0x49: {  	s15 =	simm.s32 $0x4C00  }
0x4a: {  	[tilespmem:s15], [sflag:$0x3] =	stream.indirect_vreg.gather [hbm4b:s5+s3], $0x80, v2, vm0, $0xb8;
	[tilespmem:$0x18400] =	vst v63  }
0x4b: {  	s16 =	simm.s32 $0x5400  }
0x4c: {  	[tilespmem:s16], [sflag:$0x3] =	stream.indirect_vreg.gather [hbm4b:s6+s3], $0x80, v2, vm0, $0xb8;
	[tilespmem:$0x18400] =	vst v63  }
0x4d: {  	s17 =	simm.s32 $0x5C00  }
0x4e: {  	[tilespmem:s17], [sflag:$0x3] =	stream.indirect_vreg.gather [hbm4b:s7+s3], $0x80, v2, vm0, $0xb8;
	[tilespmem:$0x18400] =	vst v63  }
0x4f: {  	v2 =	vld.msk [tilespmem:$0x18], $0xff;
	_ =	sdelay $0x4  }
0x50: {  	v3 =	vshll.u32 v2, $0x3  }
0x51: {  	v2 =	vand.u32 $0x7, v2;
	v3 =	vand.u32 $0xFFFFFFC0, v3  }
0x52: {  	v2 =	vor.u32 v2, v3  }
0x53: {  	v2 =	vperm.xlane v2, v0;
	_ =	sdelay $0x1  }
0x54: {  	v2 =	vadd.s32 v1, v2;
	_ =	sdelay $0x3  }
0x55: {  	s18 =	simm.s32 $0x6400  }
0x56: {  	[tilespmem:s18], [sflag:$0x4] =	stream.indirect_vreg.gather [hbm4b:s2+s3], $0x80, v2, vm0, $0xb8;
	[tilespmem:$0x18400] =	vst v63  }
0x57: {  	s11 =	simm.s32 $0x6C00  }
0x58: {  	[tilespmem:s11], [sflag:$0x4] =	stream.indirect_vreg.gather [hbm4b:s5+s3], $0x80, v2, vm0, $0xb8;
	[tilespmem:$0x18400] =	vst v63  }
0x59: {  	s13 =	simm.s32 $0x7400  }
0x5a: {  	[tilespmem:s13], [sflag:$0x4] =	stream.indirect_vreg.gather [hbm4b:s6+s3], $0x80, v2, vm0, $0xb8;
	[tilespmem:$0x18400] =	vst v63  }
0x5b: {  	s14 =	simm.s32 $0x7C00  }
0x5c: {  	[tilespmem:s14], [sflag:$0x4] =	stream.indirect_vreg.gather [hbm4b:s7+s3], $0x80, v2, vm0, $0xb8;
	[tilespmem:$0x18400] =	vst v63  }
0x5d: {  	v2 =	vld.msk [tilespmem:$0x20], $0xff;
	_ =	sdelay $0x4  }
0x5e: {  	v3 =	vshll.u32 v2, $0x3  }
0x5f: {  	v2 =	vand.u32 $0x7, v2;
	v3 =	vand.u32 $0xFFFFFFC0, v3  }
0x60: {  	v2 =	vor.u32 v2, v3  }
0x61: {  	v2 =	vperm.xlane v2, v0;
	_ =	sdelay $0x1  }
0x62: {  	v2 =	vadd.s32 v1, v2;
	_ =	sdelay $0x4  }
0x63: {  	[tilespmem:s29], [sflag:$0x5] =	stream.indirect_vreg.gather [hbm4b:s2+s3], $0x80, v2, vm0, $0xb8;
	[tilespmem:$0x18400] =	vst v63  }
0x64: {  	s15 =	simm.s32 $0x8C00  }
0x65: {  	[tilespmem:s15], [sflag:$0x5] =	stream.indirect_vreg.gather [hbm4b:s5+s3], $0x80, v2, vm0, $0xb8;
	[tilespmem:$0x18400] =	vst v63  }
0x66: {  	s16 =	simm.s32 $0x9400  }
0x67: {  	[tilespmem:s16], [sflag:$0x5] =	stream.indirect_vreg.gather [hbm4b:s6+s3], $0x80, v2, vm0, $0xb8;
	[tilespmem:$0x18400] =	vst v63  }
0x68: {  	s17 =	simm.s32 $0x9C00  }
0x69: {  	[tilespmem:s17], [sflag:$0x5] =	stream.indirect_vreg.gather [hbm4b:s7+s3], $0x80, v2, vm0, $0xb8;
	[tilespmem:$0x18400] =	vst v63  }
0x6a: {  	v2 =	vld.msk [tilespmem:$0x28], $0xff;
	_ =	sdelay $0x4  }
0x6b: {  	v3 =	vshll.u32 v2, $0x3  }
0x6c: {  	v2 =	vand.u32 $0x7, v2;
	v3 =	vand.u32 $0xFFFFFFC0, v3  }
0x6d: {  	v2 =	vor.u32 v2, v3  }
0x6e: {  	v2 =	vperm.xlane v2, v0;
	_ =	sdelay $0x1  }
0x6f: {  	v2 =	vadd.s32 v1, v2;
	_ =	sdelay $0x3  }
0x70: {  	s18 =	simm.s32 $0xA400  }
0x71: {  	[tilespmem:s18], [sflag:$0x6] =	stream.indirect_vreg.gather [hbm4b:s2+s3], $0x80, v2, vm0, $0xb8;
	[tilespmem:$0x18400] =	vst v63  }
0x72: {  	s11 =	simm.s32 $0xAC00  }
0x73: {  	[tilespmem:s11], [sflag:$0x6] =	stream.indirect_vreg.gather [hbm4b:s5+s3], $0x80, v2, vm0, $0xb8;
	[tilespmem:$0x18400] =	vst v63  }
0x74: {  	s13 =	simm.s32 $0xB400  }
0x75: {  	[tilespmem:s13], [sflag:$0x6] =	stream.indirect_vreg.gather [hbm4b:s6+s3], $0x80, v2, vm0, $0xb8;
	[tilespmem:$0x18400] =	vst v63  }
0x76: {  	s14 =	simm.s32 $0xBC00  }
0x77: {  	[tilespmem:s14], [sflag:$0x6] =	stream.indirect_vreg.gather [hbm4b:s7+s3], $0x80, v2, vm0, $0xb8;
	[tilespmem:$0x18400] =	vst v63  }
0x78: {  	v2 =	vld.msk [tilespmem:$0x30], $0xff;
	_ =	sdelay $0x4  }
0x79: {  	v3 =	vshll.u32 v2, $0x3  }
0x7a: {  	v2 =	vand.u32 $0x7, v2;
	v3 =	vand.u32 $0xFFFFFFC0, v3  }
0x7b: {  	v2 =	vor.u32 v2, v3  }
0x7c: {  	v2 =	vperm.xlane v2, v0;
	_ =	sdelay $0x1  }
0x7d: {  	v2 =	vadd.s32 v1, v2;
	_ =	sdelay $0x3  }
0x7e: {  	s15 =	simm.s32 $0xC400  }
0x7f: {  	[tilespmem:s15], [sflag:$0x7] =	stream.indirect_vreg.gather [hbm4b:s2+s3], $0x80, v2, vm0, $0xb8;
	[tilespmem:$0x18400] =	vst v63  }
0x80: {  	s16 =	simm.s32 $0xCC00  }
0x81: {  	[tilespmem:s16], [sflag:$0x7] =	stream.indirect_vreg.gather [hbm4b:s5+s3], $0x80, v2, vm0, $0xb8;
	[tilespmem:$0x18400] =	vst v63  }
0x82: {  	s17 =	simm.s32 $0xD400  }
0x83: {  	[tilespmem:s17], [sflag:$0x7] =	stream.indirect_vreg.gather [hbm4b:s6+s3], $0x80, v2, vm0, $0xb8;
	[tilespmem:$0x18400] =	vst v63  }
0x84: {  	s18 =	simm.s32 $0xDC00  }
0x85: {  	[tilespmem:s18], [sflag:$0x7] =	stream.indirect_vreg.gather [hbm4b:s7+s3], $0x80, v2, vm0, $0xb8;
	[tilespmem:$0x18400] =	vst v63  }
0x86: {  	v2 =	vld.msk [tilespmem:$0x38], $0xff;
	_ =	sdelay $0x4  }
0x87: {  	v3 =	vshll.u32 v2, $0x3  }
0x88: {  	v2 =	vand.u32 $0x7, v2;
	v3 =	vand.u32 $0xFFFFFFC0, v3  }
0x89: {  	v2 =	vor.u32 v2, v3  }
0x8a: {  	v2 =	vperm.xlane v2, v0;
	_ =	sdelay $0x1  }
0x8b: {  	v2 =	vadd.s32 v1, v2;
	_ =	sdelay $0x3  }
0x8c: {  	s16 =	simm.s32 $0xE400  }
0x8d: {  	[tilespmem:s16], [sflag:$0x8] =	stream.indirect_vreg.gather [hbm4b:s2+s3], $0x80, v2, vm0, $0xb8;
	[tilespmem:$0x18400] =	vst v63  }
0x8e: {  	s18 =	simm.s32 $0xEC00  }
0x8f: {  	[tilespmem:s18], [sflag:$0x8] =	stream.indirect_vreg.gather [hbm4b:s5+s3], $0x80, v2, vm0, $0xb8;
	[tilespmem:$0x18400] =	vst v63  }
0x90: {  	s17 =	simm.s32 $0xF400  }
0x91: {  	[tilespmem:s17], [sflag:$0x8] =	stream.indirect_vreg.gather [hbm4b:s6+s3], $0x80, v2, vm0, $0xb8;
	[tilespmem:$0x18400] =	vst v63  }
0x92: {  	s10 =	simm.s32 $0x50;
	s11 =	simm.s32 $0x0;
	s15 =	simm.s32 $0xFC00  }
0x93: {  	[tilespmem:s15], [sflag:$0x8] =	stream.indirect_vreg.gather [hbm4b:s7+s3], $0x80, v2, vm0, $0xb8;
	[tilespmem:$0x18400] =	vst v63  }
.LBB2_2:
0x94: {  	v2 =	vld.msk [tilespmem:s10+$0xFFFFFFF0], $0xff;
	_ =	sdelay $0x4  }
0x95: {  	v3 =	vshll.u32 v2, $0x3  }
0x96: {  	v2 =	vand.u32 $0x7, v2;
	v3 =	vand.u32 $0xFFFFFFC0, v3  }
0x97: {  	v2 =	vor.u32 v2, v3  }
0x98: {  	v2 =	vperm.xlane v2, v0;
	_ =	sdelay $0x1  }
0x99: {  	v2 =	vadd.s32 v1, v2;
	_ =	sdelay $0x4  }
0x9a: {  	[tilespmem:s19], [sflag:$0x9] =	stream.indirect_vreg.gather [hbm4b:s2+s3], $0x80, v2, vm0, $0xb8;
	[tilespmem:$0x18400] =	vst v63  }
0x9b: {  	s13 =	rddreg [dreg:$0x5]  }
0x9c: {  	[tilespmem:s13], [sflag:$0x9] =	stream.indirect_vreg.gather [hbm4b:s5+s3], $0x80, v2, vm0, $0xb8;
	[tilespmem:$0x18400] =	vst v63  }
0x9d: {  	s14 =	rddreg [dreg:$0x6]  }
0x9e: {  	[tilespmem:s14], [sflag:$0x9] =	stream.indirect_vreg.gather [hbm4b:s6+s3], $0x80, v2, vm0, $0xb8;
	[tilespmem:$0x18400] =	vst v63  }
0x9f: {  	s13 =	rddreg [dreg:$0x7]  }
0xa0: {  	[tilespmem:s13], [sflag:$0x9] =	stream.indirect_vreg.gather [hbm4b:s7+s3], $0x80, v2, vm0, $0xb8;
	[tilespmem:$0x18400] =	vst v63  }
0xa1: {  	v2 =	vld.msk [tilespmem:s10+$0xFFFFFFF8], $0xff;
	_ =	sdelay $0x4  }
0xa2: {  	v3 =	vshll.u32 v2, $0x3  }
0xa3: {  	v2 =	vand.u32 $0x7, v2;
	v3 =	vand.u32 $0xFFFFFFC0, v3  }
0xa4: {  	v2 =	vor.u32 v2, v3  }
0xa5: {  	v2 =	vperm.xlane v2, v0;
	_ =	sdelay $0x1  }
0xa6: {  	v2 =	vadd.s32 v1, v2;
	_ =	sdelay $0x3  }
0xa7: {  	s13 =	rddreg [dreg:$0x8]  }
0xa8: {  	[tilespmem:s13], [sflag:$0xA] =	stream.indirect_vreg.gather [hbm4b:s2+s3], $0x80, v2, vm0, $0xb8;
	[tilespmem:$0x18400] =	vst v63  }
0xa9: {  	s14 =	rddreg [dreg:$0x9]  }
0xaa: {  	[tilespmem:s14], [sflag:$0xA] =	stream.indirect_vreg.gather [hbm4b:s5+s3], $0x80, v2, vm0, $0xb8;
	[tilespmem:$0x18400] =	vst v63  }
0xab: {  	s13 =	rddreg [dreg:$0xa]  }
0xac: {  	[tilespmem:s13], [sflag:$0xA] =	stream.indirect_vreg.gather [hbm4b:s6+s3], $0x80, v2, vm0, $0xb8;
	[tilespmem:$0x18400] =	vst v63  }
0xad: {  	s14 =	rddreg [dreg:$0xb]  }
0xae: {  	[tilespmem:s14], [sflag:$0xA] =	stream.indirect_vreg.gather [hbm4b:s7+s3], $0x80, v2, vm0, $0xb8;
	[tilespmem:$0x18400] =	vst v63  }
0xaf: {  	v2 =	vld.msk [tilespmem:s10+$0x0], $0xff;
	_ =	sdelay $0x4  }
0xb0: {  	v3 =	vshll.u32 v2, $0x3  }
0xb1: {  	v2 =	vand.u32 $0x7, v2;
	v3 =	vand.u32 $0xFFFFFFC0, v3  }
0xb2: {  	v2 =	vor.u32 v2, v3  }
0xb3: {  	v2 =	vperm.xlane v2, v0;
	_ =	sdelay $0x1  }
0xb4: {  	v2 =	vadd.s32 v1, v2;
	_ =	sdelay $0x3  }
0xb5: {  	s13 =	rddreg [dreg:$0xc]  }
0xb6: {  	[tilespmem:s13], [sflag:$0xB] =	stream.indirect_vreg.gather [hbm4b:s2+s3], $0x80, v2, vm0, $0xb8;
	[tilespmem:$0x18400] =	vst v63  }
0xb7: {  	s14 =	rddreg [dreg:$0xd]  }
0xb8: {  	[tilespmem:s14], [sflag:$0xB] =	stream.indirect_vreg.gather [hbm4b:s5+s3], $0x80, v2, vm0, $0xb8;
	[tilespmem:$0x18400] =	vst v63  }
0xb9: {  	s13 =	rddreg [dreg:$0xe]  }
0xba: {  	[tilespmem:s13], [sflag:$0xB] =	stream.indirect_vreg.gather [hbm4b:s6+s3], $0x80, v2, vm0, $0xb8;
	[tilespmem:$0x18400] =	vst v63  }
0xbb: {  	s14 =	rddreg [dreg:$0xf]  }
0xbc: {  	[tilespmem:s14], [sflag:$0xB] =	stream.indirect_vreg.gather [hbm4b:s7+s3], $0x80, v2, vm0, $0xb8;
	[tilespmem:$0x18400] =	vst v63  }
0xbd: {  	v2 =	vld.msk [tilespmem:s10+$0x8], $0xff;
	_ =	sdelay $0x4  }
0xbe: {  	v3 =	vshll.u32 v2, $0x3  }
0xbf: {  	v2 =	vand.u32 $0x7, v2;
	v3 =	vand.u32 $0xFFFFFFC0, v3  }
0xc0: {  	v2 =	vor.u32 v2, v3  }
0xc1: {  	v2 =	vperm.xlane v2, v0;
	_ =	sdelay $0x1  }
0xc2: {  	v2 =	vadd.s32 v1, v2;
	_ =	sdelay $0x3  }
0xc3: {  	s13 =	rddreg [dreg:$0x10]  }
0xc4: {  	[tilespmem:s13], [sflag:$0xC] =	stream.indirect_vreg.gather [hbm4b:s2+s3], $0x80, v2, vm0, $0xb8;
	[tilespmem:$0x18400] =	vst v63  }
0xc5: {  	s14 =	rddreg [dreg:$0x11]  }
0xc6: {  	[tilespmem:s14], [sflag:$0xC] =	stream.indirect_vreg.gather [hbm4b:s5+s3], $0x80, v2, vm0, $0xb8;
	[tilespmem:$0x18400] =	vst v63  }
0xc7: {  	s13 =	rddreg [dreg:$0x12]  }
0xc8: {  	[tilespmem:s13], [sflag:$0xC] =	stream.indirect_vreg.gather [hbm4b:s6+s3], $0x80, v2, vm0, $0xb8;
	[tilespmem:$0x18400] =	vst v63  }
0xc9: {  	s14 =	rddreg [dreg:$0x13]  }
0xca: {  	[tilespmem:s14], [sflag:$0xC] =	stream.indirect_vreg.gather [hbm4b:s7+s3], $0x80, v2, vm0, $0xb8;
	[tilespmem:$0x18400] =	vst v63  }
0xcb: {  	_ =	swait.ge [sflag:s20], $0x2000  }
0xcc: {  	[sflag:s20] =	ssyncset.done $0x0  }
0xcd: {  	[sflag:s20] =	ssyncadd.s32 $0xFFFFE000  }
0xce: {  	_ =	swait.ge [sflag:s21], $0x2000  }
0xcf: {  	[sflag:s21] =	ssyncset.done $0x0  }
0xd0: {  	[sflag:s21] =	ssyncadd.s32 $0xFFFFE000  }
0xd1: {  	_ =	swait.ge [sflag:s22], $0x2000  }
0xd2: {  	[sflag:s22] =	ssyncset.done $0x0  }
0xd3: {  	[sflag:s22] =	ssyncadd.s32 $0xFFFFE000  }
0xd4: {  	_ =	swait.ge [sflag:s23], $0x2000  }
0xd5: {  	s14 =	rddreg [dreg:$0x4];
	[sflag:s23] =	ssyncset.done $0x0  }
0xd6: {  	[sflag:s23] =	ssyncadd.s32 $0xFFFFE000;
	s13 =	sadd.s32 s11, s14  }
0xd7: {  	[hbm4b:s13+s3] =	stream.linear.scatter [tilespmem:s12], [sflag:$0xD], $0x8000, $0x38;
	[tilespmem:$0x18400] =	vst v63  }
0xd8: {  	_ =	swait.ge [sflag:s24], $0x8000  }
0xd9: {  	[sflag:s24] =	ssyncset.done $0x0  }
0xda: {  	[sflag:s24] =	ssyncadd.s32 $0xFFFF8000  }
0xdb: {  	v2 =	vld.msk [tilespmem:s10+$0x10], $0xff;
	_ =	sdelay $0x4  }
0xdc: {  	v3 =	vshll.u32 v2, $0x3  }
0xdd: {  	v2 =	vand.u32 $0x7, v2;
	v3 =	vand.u32 $0xFFFFFFC0, v3  }
0xde: {  	v2 =	vor.u32 v2, v3  }
0xdf: {  	v2 =	vperm.xlane v2, v0;
	_ =	sdelay $0x1  }
0xe0: {  	v2 =	vadd.s32 v1, v2;
	_ =	sdelay $0x4  }
0xe1: {  	[tilespmem:s12], [sflag:$0x1] =	stream.indirect_vreg.gather [hbm4b:s2+s3], $0x80, v2, vm0, $0xb8;
	[tilespmem:$0x18400] =	vst v63  }
0xe2: {  	s14 =	simm.s32 $0xC00  }
0xe3: {  	[tilespmem:s14], [sflag:$0x1] =	stream.indirect_vreg.gather [hbm4b:s5+s3], $0x80, v2, vm0, $0xb8;
	[tilespmem:$0x18400] =	vst v63  }
0xe4: {  	s14 =	simm.s32 $0x1400  }
0xe5: {  	[tilespmem:s14], [sflag:$0x1] =	stream.indirect_vreg.gather [hbm4b:s6+s3], $0x80, v2, vm0, $0xb8;
	[tilespmem:$0x18400] =	vst v63  }
0xe6: {  	s14 =	simm.s32 $0x1C00  }
0xe7: {  	[tilespmem:s14], [sflag:$0x1] =	stream.indirect_vreg.gather [hbm4b:s7+s3], $0x80, v2, vm0, $0xb8;
	[tilespmem:$0x18400] =	vst v63  }
0xe8: {  	v2 =	vld.msk [tilespmem:s10+$0x18], $0xff;
	_ =	sdelay $0x4  }
0xe9: {  	v3 =	vshll.u32 v2, $0x3  }
0xea: {  	v2 =	vand.u32 $0x7, v2;
	v3 =	vand.u32 $0xFFFFFFC0, v3  }
0xeb: {  	v2 =	vor.u32 v2, v3  }
0xec: {  	v2 =	vperm.xlane v2, v0;
	_ =	sdelay $0x1  }
0xed: {  	v2 =	vadd.s32 v1, v2;
	_ =	sdelay $0x3  }
0xee: {  	s14 =	simm.s32 $0x2400  }
0xef: {  	[tilespmem:s14], [sflag:$0x2] =	stream.indirect_vreg.gather [hbm4b:s2+s3], $0x80, v2, vm0, $0xb8;
	[tilespmem:$0x18400] =	vst v63  }
0xf0: {  	s14 =	simm.s32 $0x2C00  }
0xf1: {  	[tilespmem:s14], [sflag:$0x2] =	stream.indirect_vreg.gather [hbm4b:s5+s3], $0x80, v2, vm0, $0xb8;
	[tilespmem:$0x18400] =	vst v63  }
0xf2: {  	s14 =	simm.s32 $0x3400  }
0xf3: {  	[tilespmem:s14], [sflag:$0x2] =	stream.indirect_vreg.gather [hbm4b:s6+s3], $0x80, v2, vm0, $0xb8;
	[tilespmem:$0x18400] =	vst v63  }
0xf4: {  	s14 =	simm.s32 $0x3C00  }
0xf5: {  	[tilespmem:s14], [sflag:$0x2] =	stream.indirect_vreg.gather [hbm4b:s7+s3], $0x80, v2, vm0, $0xb8;
	[tilespmem:$0x18400] =	vst v63  }
0xf6: {  	v2 =	vld.msk [tilespmem:s10+$0x20], $0xff;
	_ =	sdelay $0x4  }
0xf7: {  	v3 =	vshll.u32 v2, $0x3  }
0xf8: {  	v2 =	vand.u32 $0x7, v2;
	v3 =	vand.u32 $0xFFFFFFC0, v3  }
0xf9: {  	v2 =	vor.u32 v2, v3  }
0xfa: {  	v2 =	vperm.xlane v2, v0;
	_ =	sdelay $0x1  }
0xfb: {  	v2 =	vadd.s32 v1, v2;
	_ =	sdelay $0x3  }
0xfc: {  	s14 =	simm.s32 $0x4400  }
0xfd: {  	[tilespmem:s14], [sflag:$0x3] =	stream.indirect_vreg.gather [hbm4b:s2+s3], $0x80, v2, vm0, $0xb8;
	[tilespmem:$0x18400] =	vst v63  }
0xfe: {  	s14 =	simm.s32 $0x4C00  }
0xff: {  	[tilespmem:s14], [sflag:$0x3] =	stream.indirect_vreg.gather [hbm4b:s5+s3], $0x80, v2, vm0, $0xb8;
	[tilespmem:$0x18400] =	vst v63  }
0x100: {  	s14 =	simm.s32 $0x5400  }
0x101: {  	[tilespmem:s14], [sflag:$0x3] =	stream.indirect_vreg.gather [hbm4b:s6+s3], $0x80, v2, vm0, $0xb8;
	[tilespmem:$0x18400] =	vst v63  }
0x102: {  	s14 =	simm.s32 $0x5C00  }
0x103: {  	[tilespmem:s14], [sflag:$0x3] =	stream.indirect_vreg.gather [hbm4b:s7+s3], $0x80, v2, vm0, $0xb8;
	[tilespmem:$0x18400] =	vst v63  }
0x104: {  	v2 =	vld.msk [tilespmem:s10+$0x28], $0xff;
	_ =	sdelay $0x4  }
0x105: {  	v3 =	vshll.u32 v2, $0x3  }
0x106: {  	v2 =	vand.u32 $0x7, v2;
	v3 =	vand.u32 $0xFFFFFFC0, v3  }
0x107: {  	v2 =	vor.u32 v2, v3  }
0x108: {  	v2 =	vperm.xlane v2, v0;
	_ =	sdelay $0x1  }
0x109: {  	v2 =	vadd.s32 v1, v2;
	_ =	sdelay $0x3  }
0x10a: {  	s14 =	simm.s32 $0x6400  }
0x10b: {  	[tilespmem:s14], [sflag:$0x4] =	stream.indirect_vreg.gather [hbm4b:s2+s3], $0x80, v2, vm0, $0xb8;
	[tilespmem:$0x18400] =	vst v63  }
0x10c: {  	s14 =	simm.s32 $0x6C00  }
0x10d: {  	[tilespmem:s14], [sflag:$0x4] =	stream.indirect_vreg.gather [hbm4b:s5+s3], $0x80, v2, vm0, $0xb8;
	[tilespmem:$0x18400] =	vst v63  }
0x10e: {  	s14 =	simm.s32 $0x7400  }
0x10f: {  	[tilespmem:s14], [sflag:$0x4] =	stream.indirect_vreg.gather [hbm4b:s6+s3], $0x80, v2, vm0, $0xb8;
	[tilespmem:$0x18400] =	vst v63  }
0x110: {  	s14 =	simm.s32 $0x7C00  }
0x111: {  	[tilespmem:s14], [sflag:$0x4] =	stream.indirect_vreg.gather [hbm4b:s7+s3], $0x80, v2, vm0, $0xb8;
	[tilespmem:$0x18400] =	vst v63  }
0x112: {  	_ =	swait.ge [sflag:s25], $0x2000  }
0x113: {  	[sflag:s25] =	ssyncset.done $0x0  }
0x114: {  	[sflag:s25] =	ssyncadd.s32 $0xFFFFE000  }
0x115: {  	_ =	swait.ge [sflag:s26], $0x2000  }
0x116: {  	[sflag:s26] =	ssyncset.done $0x0  }
0x117: {  	[sflag:s26] =	ssyncadd.s32 $0xFFFFE000  }
0x118: {  	_ =	swait.ge [sflag:s28], $0x2000  }
0x119: {  	[sflag:s28] =	ssyncset.done $0x0  }
0x11a: {  	[sflag:s28] =	ssyncadd.s32 $0xFFFFE000  }
0x11b: {  	_ =	swait.ge [sflag:s30], $0x2000  }
0x11c: {  	[sflag:s30] =	ssyncset.done $0x0  }
0x11d: {  	s14 =	sadd.s32 $0x1000, s13;
	[sflag:s30] =	ssyncadd.s32 $0xFFFFE000  }
0x11e: {  	[hbm4b:s14+s3] =	stream.linear.scatter [tilespmem:s29], [sflag:$0xE], $0x8000, $0x38;
	[tilespmem:$0x18400] =	vst v63  }
0x11f: {  	_ =	swait.ge [sflag:s31], $0x8000  }
0x120: {  	[sflag:s31] =	ssyncset.done $0x0  }
0x121: {  	[sflag:s31] =	ssyncadd.s32 $0xFFFF8000  }
0x122: {  	v2 =	vld.msk [tilespmem:s10+$0x30], $0xff;
	_ =	sdelay $0x4  }
0x123: {  	v3 =	vshll.u32 v2, $0x3  }
0x124: {  	v2 =	vand.u32 $0x7, v2;
	v3 =	vand.u32 $0xFFFFFFC0, v3  }
0x125: {  	v2 =	vor.u32 v2, v3  }
0x126: {  	v2 =	vperm.xlane v2, v0;
	_ =	sdelay $0x1  }
0x127: {  	v2 =	vadd.s32 v1, v2;
	_ =	sdelay $0x4  }
0x128: {  	[tilespmem:s29], [sflag:$0x5] =	stream.indirect_vreg.gather [hbm4b:s2+s3], $0x80, v2, vm0, $0xb8;
	[tilespmem:$0x18400] =	vst v63  }
0x129: {  	s14 =	simm.s32 $0x8C00  }
0x12a: {  	[tilespmem:s14], [sflag:$0x5] =	stream.indirect_vreg.gather [hbm4b:s5+s3], $0x80, v2, vm0, $0xb8;
	[tilespmem:$0x18400] =	vst v63  }
0x12b: {  	s14 =	simm.s32 $0x9400  }
0x12c: {  	[tilespmem:s14], [sflag:$0x5] =	stream.indirect_vreg.gather [hbm4b:s6+s3], $0x80, v2, vm0, $0xb8;
	[tilespmem:$0x18400] =	vst v63  }
0x12d: {  	s14 =	simm.s32 $0x9C00  }
0x12e: {  	[tilespmem:s14], [sflag:$0x5] =	stream.indirect_vreg.gather [hbm4b:s7+s3], $0x80, v2, vm0, $0xb8;
	[tilespmem:$0x18400] =	vst v63  }
0x12f: {  	v2 =	vld.msk [tilespmem:s10+$0x38], $0xff;
	_ =	sdelay $0x4  }
0x130: {  	v3 =	vshll.u32 v2, $0x3  }
0x131: {  	v2 =	vand.u32 $0x7, v2;
	v3 =	vand.u32 $0xFFFFFFC0, v3  }
0x132: {  	v2 =	vor.u32 v2, v3  }
0x133: {  	v2 =	vperm.xlane v2, v0;
	_ =	sdelay $0x1  }
0x134: {  	v2 =	vadd.s32 v1, v2;
	_ =	sdelay $0x3  }
0x135: {  	s14 =	simm.s32 $0xA400  }
0x136: {  	[tilespmem:s14], [sflag:$0x6] =	stream.indirect_vreg.gather [hbm4b:s2+s3], $0x80, v2, vm0, $0xb8;
	[tilespmem:$0x18400] =	vst v63  }
0x137: {  	s14 =	simm.s32 $0xAC00  }
0x138: {  	[tilespmem:s14], [sflag:$0x6] =	stream.indirect_vreg.gather [hbm4b:s5+s3], $0x80, v2, vm0, $0xb8;
	[tilespmem:$0x18400] =	vst v63  }
0x139: {  	s14 =	simm.s32 $0xB400  }
0x13a: {  	[tilespmem:s14], [sflag:$0x6] =	stream.indirect_vreg.gather [hbm4b:s6+s3], $0x80, v2, vm0, $0xb8;
	[tilespmem:$0x18400] =	vst v63  }
0x13b: {  	s14 =	simm.s32 $0xBC00  }
0x13c: {  	[tilespmem:s14], [sflag:$0x6] =	stream.indirect_vreg.gather [hbm4b:s7+s3], $0x80, v2, vm0, $0xb8;
	[tilespmem:$0x18400] =	vst v63  }
0x13d: {  	v2 =	vld.msk [tilespmem:s10+$0x40], $0xff;
	_ =	sdelay $0x4  }
0x13e: {  	v3 =	vshll.u32 v2, $0x3  }
0x13f: {  	v2 =	vand.u32 $0x7, v2;
	v3 =	vand.u32 $0xFFFFFFC0, v3  }
0x140: {  	v2 =	vor.u32 v2, v3  }
0x141: {  	v2 =	vperm.xlane v2, v0;
	_ =	sdelay $0x1  }
0x142: {  	v2 =	vadd.s32 v1, v2;
	_ =	sdelay $0x3  }
0x143: {  	s14 =	simm.s32 $0xC400  }
0x144: {  	[tilespmem:s14], [sflag:$0x7] =	stream.indirect_vreg.gather [hbm4b:s2+s3], $0x80, v2, vm0, $0xb8;
	[tilespmem:$0x18400] =	vst v63  }
0x145: {  	s14 =	simm.s32 $0xCC00  }
0x146: {  	[tilespmem:s14], [sflag:$0x7] =	stream.indirect_vreg.gather [hbm4b:s5+s3], $0x80, v2, vm0, $0xb8;
	[tilespmem:$0x18400] =	vst v63  }
0x147: {  	s14 =	simm.s32 $0xD400  }
0x148: {  	[tilespmem:s14], [sflag:$0x7] =	stream.indirect_vreg.gather [hbm4b:s6+s3], $0x80, v2, vm0, $0xb8;
	[tilespmem:$0x18400] =	vst v63  }
0x149: {  	s14 =	simm.s32 $0xDC00  }
0x14a: {  	[tilespmem:s14], [sflag:$0x7] =	stream.indirect_vreg.gather [hbm4b:s7+s3], $0x80, v2, vm0, $0xb8;
	[tilespmem:$0x18400] =	vst v63  }
0x14b: {  	v2 =	vld.msk [tilespmem:s10+$0x48], $0xff;
	_ =	sdelay $0x4  }
0x14c: {  	v3 =	vshll.u32 v2, $0x3  }
0x14d: {  	v2 =	vand.u32 $0x7, v2;
	v3 =	vand.u32 $0xFFFFFFC0, v3  }
0x14e: {  	v2 =	vor.u32 v2, v3  }
0x14f: {  	v2 =	vperm.xlane v2, v0;
	_ =	sdelay $0x1  }
0x150: {  	v2 =	vadd.s32 v1, v2;
	_ =	sdelay $0x4  }
0x151: {  	[tilespmem:s16], [sflag:$0x8] =	stream.indirect_vreg.gather [hbm4b:s2+s3], $0x80, v2, vm0, $0xb8;
	[tilespmem:$0x18400] =	vst v63  }
0x152: {  	_ = 	snop  }
0x153: {  	[tilespmem:s18], [sflag:$0x8] =	stream.indirect_vreg.gather [hbm4b:s5+s3], $0x80, v2, vm0, $0xb8;
	[tilespmem:$0x18400] =	vst v63  }
0x154: {  	_ = 	snop  }
0x155: {  	[tilespmem:s17], [sflag:$0x8] =	stream.indirect_vreg.gather [hbm4b:s6+s3], $0x80, v2, vm0, $0xb8;
	[tilespmem:$0x18400] =	vst v63  }
0x156: {  	_ = 	snop  }
0x157: {  	[tilespmem:s15], [sflag:$0x8] =	stream.indirect_vreg.gather [hbm4b:s7+s3], $0x80, v2, vm0, $0xb8;
	[tilespmem:$0x18400] =	vst v63  }
0x158: {  	_ =	swait.ge [sflag:s1], $0x2000  }
0x159: {  	[sflag:s1] =	ssyncset.done $0x0  }
0x15a: {  	[sflag:s1] =	ssyncadd.s32 $0xFFFFE000  }
0x15b: {  	_ =	swait.ge [sflag:s0], $0x2000  }
0x15c: {  	[sflag:s0] =	ssyncset.done $0x0  }
0x15d: {  	[sflag:s0] =	ssyncadd.s32 $0xFFFFE000  }
0x15e: {  	_ =	swait.ge [sflag:s4], $0x2000  }
0x15f: {  	[sflag:s4] =	ssyncset.done $0x0  }
0x160: {  	[sflag:s4] =	ssyncadd.s32 $0xFFFFE000  }
0x161: {  	_ =	swait.ge [sflag:s8], $0x2000  }
0x162: {  	p0 =	sne.s32 s11, $0x1B000;
	[sflag:s8] =	ssyncset.done $0x0  }
.Ltmp0:
0x163: {  	s13 =	sadd.s32 $0x2000, s13;
	[sflag:s8] =	ssyncadd.s32 $0xFFFFE000;
	(pc) =	sbr.rel @p0 .LBB2_2-.Ltmp0, $4  }
0x164: {  	[hbm4b:s13+s3] =	stream.linear.scatter [tilespmem:s19], [sflag:$0xF], $0x8000, $0x38;
	[tilespmem:$0x18400] =	vst v63  }
0x165: {  	_ =	swait.ge [sflag:s9], $0x8000  }
0x166: {  	[sflag:s9] =	ssyncset.done $0x0  }
0x167: {  	s11 =	sadd.s32 $0x3000, s11;
	s10 =	sadd.s32 $0x60, s10;
	[sflag:s9] =	ssyncadd.s32 $0xFFFF8000  }
0x168: {  	_ =	swait.ge [sflag:s20], $0x2000  }
0x169: {  	[sflag:s20] =	ssyncset.done $0x0  }
0x16a: {  	[sflag:s20] =	ssyncadd.s32 $0xFFFFE000  }
0x16b: {  	_ =	swait.ge [sflag:s21], $0x2000  }
0x16c: {  	[sflag:s21] =	ssyncset.done $0x0  }
0x16d: {  	[sflag:s21] =	ssyncadd.s32 $0xFFFFE000  }
0x16e: {  	_ =	swait.ge [sflag:s22], $0x2000  }
0x16f: {  	[sflag:s22] =	ssyncset.done $0x0  }
0x170: {  	[sflag:s22] =	ssyncadd.s32 $0xFFFFE000  }
0x171: {  	_ =	swait.ge [sflag:s23], $0x2000  }
0x172: {  	[sflag:s23] =	ssyncset.done $0x0  }
0x173: {  	s10 =	rddreg [dreg:$0x15];
	[sflag:s23] =	ssyncadd.s32 $0xFFFFE000  }
0x174: {  	[hbm4b:s10+s3] =	stream.linear.scatter [tilespmem:s12], [sflag:$0xD], $0x8000, $0x38;
	[tilespmem:$0x18400] =	vst v63  }
0x175: {  	_ =	swait.ge [sflag:s24], $0x8000  }
0x176: {  	[sflag:s24] =	ssyncset.done $0x0  }
0x177: {  	[sflag:s24] =	ssyncadd.s32 $0xFFFF8000  }
0x178: {  	_ =	swait.ge [sflag:s25], $0x2000  }
0x179: {  	[sflag:s25] =	ssyncset.done $0x0  }
0x17a: {  	[sflag:s25] =	ssyncadd.s32 $0xFFFFE000  }
0x17b: {  	_ =	swait.ge [sflag:s26], $0x2000  }
0x17c: {  	[sflag:s26] =	ssyncset.done $0x0  }
0x17d: {  	[sflag:s26] =	ssyncadd.s32 $0xFFFFE000  }
0x17e: {  	_ =	swait.ge [sflag:s28], $0x2000  }
0x17f: {  	[sflag:s28] =	ssyncset.done $0x0  }
0x180: {  	[sflag:s28] =	ssyncadd.s32 $0xFFFFE000  }
0x181: {  	_ =	swait.ge [sflag:s30], $0x2000  }
0x182: {  	[sflag:s30] =	ssyncset.done $0x0  }
0x183: {  	s17 =	rddreg [dreg:$0x16];
	[sflag:s30] =	ssyncadd.s32 $0xFFFFE000  }
0x184: {  	[hbm4b:s17+s3] =	stream.linear.scatter [tilespmem:s29], [sflag:$0xE], $0x8000, $0x38;
	[tilespmem:$0x18400] =	vst v63  }
0x185: {  	_ =	swait.ge [sflag:s31], $0x8000  }
0x186: {  	s11 =	rddreg [dreg:$0x18]  }
0x187: {  	s18 =	rddreg [dreg:$0x17];
	s11 =	sadd.s32 $0x1, s11  }
0x188: {  	p0 =	sne.s32 s11, s18  }
.Ltmp1:
0x189: {  	_ = 	snop;
	(pc) =	sbr.rel @p0 .LBB2_1-.Ltmp1, $4  }
0x18a: {  	s13 =	simm.s32 $0x1400  }
0x18b: {  	s14 =	simm.s32 $0x1C00;
	s15 =	simm.s32 $0x2400;
	[sflag:s31] =	ssyncset.done $0x0  }
0x18c: {  	s16 =	simm.s32 $0x2C00;
	s17 =	simm.s32 $0x3400;
	[sflag:s31] =	ssyncadd.s32 $0xFFFF8000  }
0x18d: {  	[dreg:$0x18] =	wrdreg s11;
	s11 =	simm.s32 $0xC00;
	s18 =	simm.s32 $0x3C00  }
0x18e: {  	_ =	sfence.sel $0x180000  }
0x18f: {  	[bflag:$0x0] =	sbarrier.arrive $0xFFFF  }
0x190: {  	_ =	strace $0x90000047  }
0x191: {  	s0 =	stileid.u32;
	[bflag:$0x2] =	sbarrier.arrive $0xFFFF  }
0x192: {  	p0 =	sne.s32 s0, $0x0;
	s0 =	rddreg [dreg:$0x3]  }
0x193: {  	s0 =	sadd.s32 @!p0 $0x100000, s0  }
0x194: {  	[sflag:s0] =	ssyncadd.tile.s32 @!p0 $0x1;
	_ =	shalt  }
.Lfunc_end2:
_tile_overlayer_lowered:
.L_overlay_start_2:
0x195: {  	(tag) =	ssettag $0x2  }
0x196: {  	s0 =	rddreg [dreg:$0x0];
	s2 =	stileid.u32  }
0x197: {  	s1 =	rddreg [dreg:$0x1];
	p0 =	sne.s32 s2, $0x0  }
0x198: {  	s3 =	rddreg [dreg:$0x2];
	[bflag:$0x3] =	sbarrier.arrive $0xFFFF;
	s2 =	simm.s32 @!p0 $0x1C10  }
0x199: {  	[timem:s3], [sflag:s2] =	dma.local @!p0 [hbm:s0], s1  }
0x19a: {  	s0 =	simm.s32 @!p0 $0x10  }
0x19b: {  	_ =	swait.ge @!p0 [sflag:s0], s1  }
0x19c: {  	s1 =	ssub.s32 @!p0 $0x0, s1;
	[sflag:s0] =	ssyncset.done @!p0 $0x0  }
0x19d: {  	[sflag:s0] =	ssyncadd.s32 @!p0 s1  }
0x19e: {  	[bflag:$0x3] =	sbarrier.arrive $0xFFFF  }
0x19f: {  	_ =	shalt  }

</sc_bundles>
